<compile_context>
chip_gen: v7x
topology: tpu7x:2x2x1
jax: 0.10.2.dev20260603
libtpu: 0.0.44.dev20260713+nightly
codegen_flags: <defaults>
</compile_context>

<pallas_src>
import functools

import jax
import jax.numpy as jnp
import numpy as np
from jax import lax
from jax.experimental import pallas as pl
from jax.experimental.pallas import tpu as pltpu
from jax.experimental.pallas import tpu_sc as plsc

_C = 0.01
_SQRT_C = 0.1
_N = 10000
_E = 320000
_D = 128
_R = 200
_EPS = 1e-15

_ACC_W = 136
_CH = 128
_NCH = _E // _CH
_NHALF = _N // 2
_ACC_ROWS = _NHALF + 8



def _stage1_body(h_ref, lw_ref, elw_ref, htan_ref, lin_ref, lall_ref):
    h = h_ref[...]
    n = jnp.sqrt(jnp.sum(h * h, axis=-1, keepdims=True) + _EPS)
    scn = jnp.clip(_SQRT_C * n, 0.0, 1.0 - 1e-5)
    at = 0.5 * jnp.log((1.0 + scn) / (1.0 - scn))
    htan = at * h / (_SQRT_C * n)
    htan_ref[...] = htan
    lin_ref[...] = jnp.dot(htan, lw_ref[...], preferred_element_type=jnp.float32)
    lall_ref[...] = jnp.dot(htan, elw_ref[...], preferred_element_type=jnp.float32)


def _stage1(h_perm, lw_pp, elw_pp):
    return pl.pallas_call(
        _stage1_body,
        out_shape=[
            jax.ShapeDtypeStruct((_N, _D), jnp.float32),
            jax.ShapeDtypeStruct((_N, _D), jnp.float32),
            jax.ShapeDtypeStruct((_N, _D), jnp.float32),
        ],
    )(h_perm, lw_pp, elw_pp)



def _rsqrt_nr(x):
    i = lax.bitcast_convert_type(x, jnp.int32)
    i = jnp.int32(0x5F3759DF) - lax.shift_right_arithmetic(i, 1)
    y = lax.bitcast_convert_type(i, jnp.float32)
    for _ in range(3):
        y = y * (1.5 - 0.5 * x * y * y)
    return y


_sc_mesh = plsc.VectorSubcoreMesh(core_axis_name="c", subcore_axis_name="s")


@functools.partial(
    pl.kernel,
    mesh=_sc_mesh,
    compiler_params=pltpu.CompilerParams(
        needs_layout_passes=False, use_tc_tiling_on_sc=False),
    out_type=jax.ShapeDtypeStruct((2, _NHALF, _ACC_W), jnp.float32),
    scratch_types=[
        pltpu.VMEM((_R, 256), jnp.float32),
        pltpu.VMEM((_CH,), jnp.int32),
        pltpu.VMEM((_CH,), jnp.int32),
        pltpu.VMEM((_CH,), jnp.int32),
        pltpu.VMEM((_CH,), jnp.int32),
        pltpu.VMEM((_CH, _D), jnp.float32),
        pltpu.VMEM((_CH, _ACC_W), jnp.float32),
        pltpu.VMEM((_D, 16), jnp.float32),
        pltpu.VMEM_SHARED((_ACC_ROWS, _ACC_W), jnp.float32),
        pltpu.SemaphoreType.DMA,
    ],
)
def _edge_kernel(h_hbm, wt_hbm, src_hbm, dst_hbm, typ_hbm, out_hbm,
                 wt_v, src_v, dst_v, dloc_v, typ_v, hrows, obuf, mbuf,
                 acc, sem):
    c = lax.axis_index("c")
    s = lax.axis_index("s")
    lane = lax.iota(jnp.int32, 16)
    zero = jnp.zeros((16,), jnp.float32)

    pltpu.sync_copy(wt_hbm, wt_v)

    def _zrow(i, _):
        for j in range(_ACC_W // 16):
            obuf[i, pl.ds(j * 16, 16)] = zero
        obuf[i, pl.ds(_ACC_W - 16, 16)] = zero
        return 0

    lax.fori_loop(0, _CH, _zrow, 0)

    def _zblock(k, _):
        bid = s + k * 16

        @pl.when(bid < 39)
        def _():
            pltpu.sync_copy(obuf, acc.at[pl.ds(bid * _CH, _CH)])

        return 0

    lax.fori_loop(0, 3, _zblock, 0)

    @pl.when(s == 15)
    def _():
        pltpu.sync_copy(obuf.at[pl.ds(0, 16)], acc.at[pl.ds(39 * _CH, 16)])

    cvec = 128 + (lane & 7)
    cmask = lane < 8
    cpat = jnp.where(lane == 1, 1.0, 0.0).astype(jnp.float32)

    def _crow(i, _):
        plsc.store_scatter(obuf, [jnp.full((16,), i, jnp.int32), cvec], cpat,
                           mask=cmask)
        return 0

    lax.fori_loop(0, _CH, _crow, 0)
    plsc.subcore_barrier()

    nbase = c * _NHALF

    def _edge_group(g, _):
        eids = g * 16 + lane
        tvec = typ_v[pl.ds(g * 16, 16)]

        def _dim1(k, accv):
            c0 = jnp.full((16,), k, jnp.int32)
            he = plsc.load_gather(hrows, [eids, c0])
            ho = plsc.load_gather(hrows, [eids, c0 + 64])
            w00 = plsc.load_gather(wt_v, [tvec, c0])
            w01 = plsc.load_gather(wt_v, [tvec, c0 + 64])
            w10 = plsc.load_gather(wt_v, [tvec, c0 + 128])
            w11 = plsc.load_gather(wt_v, [tvec, c0 + 192])
            me = he * w00 + ho * w10
            mo = he * w01 + ho * w11
            mbuf[k] = me
            mbuf[64 + k] = mo
            return accv + me * me + mo * mo

        accv = lax.fori_loop(0, 64, _dim1, zero)
        x = accv + _EPS
        rn = _rsqrt_nr(x)
        n = x * rn
        ex = jnp.exp(0.2 * n)
        th = (ex - 1.0) / (ex + 1.0)
        scale = 10.0 * th * rn
        r2p = accv * scale * scale
        den = jnp.maximum(1.0 - _C * r2p, 1e-6)
        tco = (1.0 + _C * r2p) / (_SQRT_C * den)
        ss = 2.0 * scale / den

        def _dim2(k, _):
            c0 = jnp.full((16,), k, jnp.int32)
            plsc.store_scatter(obuf, [eids, c0], mbuf[k] * ss)
            plsc.store_scatter(obuf, [eids, c0 + 64], mbuf[64 + k] * ss)
            return 0

        lax.fori_loop(0, 64, _dim2, 0)
        plsc.store_scatter(obuf, [eids, jnp.full((16,), 128, jnp.int32)], tco)

        dvec = dst_v[pl.ds(g * 16, 16)] - nbase
        ok = (dvec >= 0) & (dvec < _NHALF)
        dloc_v[pl.ds(g * 16, 16)] = jnp.where(ok, dvec, _NHALF)
        return 0

    def _chunk_body(k, _):
        cid = s + k * 16

        @pl.when(cid < _NCH)
        def _():
            base = cid * _CH
            pltpu.sync_copy(src_hbm.at[pl.ds(base, _CH)], src_v)
            pltpu.sync_copy(dst_hbm.at[pl.ds(base, _CH)], dst_v)
            pltpu.sync_copy(typ_hbm.at[pl.ds(base, _CH)], typ_v)
            pltpu.async_copy(h_hbm.at[src_v], hrows, sem).wait()
            lax.fori_loop(0, _CH // 16, _edge_group, 0)
            pltpu.sync_copy(obuf, acc.at[dloc_v], add=True)

        return 0

    lax.fori_loop(0, (_NCH + 15) // 16, _chunk_body, 0)
    plsc.subcore_barrier()

    def _wblock(k, _):
        bid = s + k * 16

        @pl.when(bid < 39)
        def _():
            pltpu.sync_copy(acc.at[pl.ds(bid * _CH, _CH)],
                            out_hbm.at[c, pl.ds(bid * _CH, _CH)])

        return 0

    lax.fori_loop(0, 3, _wblock, 0)

    @pl.when(s == 15)
    def _():
        pltpu.sync_copy(acc.at[pl.ds(39 * _CH, 8)],
                        out_hbm.at[c, pl.ds(39 * _CH, 8)])



def _stage3_body(s_ref, td_ref, lin_ref, lall_ref, out_ref):
    mu_s = s_ref[...]
    td = td_ref[...]
    tco = td[:, 0:1]
    deg = td[:, 1:2]
    w = 1.0 / (deg + 1e-6)
    mu_sp = mu_s * w
    mu_t = tco * w
    inner = -(mu_t * mu_t) + jnp.sum(mu_sp * mu_sp, axis=-1, keepdims=True)
    denom = _SQRT_C * jnp.sqrt(jnp.maximum(-inner, 1e-10))
    hl_t = mu_t / denom
    hl_s = mu_sp / denom
    p = hl_s / (1.0 + _SQRT_C * hl_t + 1e-15)
    n = jnp.sqrt(jnp.sum(p * p, axis=-1, keepdims=True) + _EPS)
    scn = jnp.clip(_SQRT_C * n, 0.0, 1.0 - 1e-5)
    at = 0.5 * jnp.log((1.0 + scn) / (1.0 - scn))
    h_new = jnp.clip(at * p / (_SQRT_C * n), -10.0, 10.0)
    loop_msg = jnp.where(deg > 0.0, lin_ref[...], lall_ref[...])
    h_new = jnp.clip(h_new + loop_msg, -10.0, 10.0)
    n2 = jnp.sqrt(jnp.sum(h_new * h_new, axis=-1, keepdims=True) + _EPS)
    out_ref[...] = jnp.tanh(_SQRT_C * n2) * h_new / (_SQRT_C * n2)


def _stage3(s_part, td_part, lin, lall):
    return pl.pallas_call(
        _stage3_body,
        out_shape=jax.ShapeDtypeStruct((_N, _D), jnp.float32),
    )(s_part, td_part, lin, lall)



def kernel(h_hyper, weight, loop_weight, evolve_loop_weight, edge_index, edge_type):
    perm = np.concatenate([np.arange(0, _D, 2), np.arange(1, _D, 2)])
    h_perm = h_hyper[:, perm]
    lw_pp = loop_weight[perm][:, perm]
    elw_pp = evolve_loop_weight[perm][:, perm]
    wt = weight.reshape(_R, 64, 4).transpose(0, 2, 1).reshape(_R, 256)

    htan_p, lin_p, lall_p = _stage1(h_perm, lw_pp, elw_pp)
    acc = _edge_kernel(htan_p, wt, edge_index[0], edge_index[1], edge_type)
    full = acc.reshape(_N, _ACC_W)
    out_p = _stage3(full[:, :_D], full[:, _D:], lin_p, lall_p)
    return out_p.reshape(_N, 2, 64).transpose(0, 2, 1).reshape(_N, _D)

# --- scband reference (transcript-rebuilt; emitter-appended) ---
"""Pipeline reference for scband-lorentz-rgcnlayer-26680336843175 (READ-ONLY COPY).

The authoritative reference and input builder live on the scoring server;
editing this copy changes nothing except your own understanding.
"""

import jax, jax.numpy as jnp
import numpy as np

C = 0.01
SQRT_C = 0.1
N_NODES = 10000
N_EDGES = 320000
D = 128
NUM_RELS = 200
NUM_BASES = 64
SUB_IN = 2
SUB_OUT = 2
EPS = 1e-15


def _norm(x):
    return jnp.sqrt(jnp.sum(x * x, axis=-1, keepdims=True) + EPS)


def exp_map_zero(v, c):
    sc = jnp.sqrt(c)
    n = _norm(v)
    return jnp.tanh(sc * n) * v / (sc * n)


def log_map_zero(y, c):
    sc = jnp.sqrt(c)
    n = _norm(y)
    scn = jnp.clip(sc * n, 0.0, 1.0 - 1e-5)
    return jnp.arctanh(scn) * y / (sc * n)


def to_lorentz(x, c):
    sc = jnp.sqrt(c)
    r2 = jnp.sum(x * x, axis=-1, keepdims=True)
    denom = jnp.maximum(1.0 - c * r2, 1e-6)
    t = (1.0 + c * r2) / (sc * denom)
    s = 2.0 * x / denom
    return jnp.concatenate([t, s], axis=-1)


def to_poincare(xl, c):
    sc = jnp.sqrt(c)
    t = xl[:, :1]
    s = xl[:, 1:]
    return s / (1.0 + sc * t + 1e-15)


def _forward(h_hyper, weight, loop_weight, evolve_loop_weight, edge_index, edge_type):
    src = edge_index[0]
    dst = edge_index[1]
    # log map to tangent space at origin
    h_tan = log_map_zero(h_hyper, C)
    # relation-specific block-diagonal transform (msg_func)
    W = jnp.take(weight, edge_type, axis=0).reshape(-1, SUB_IN, SUB_OUT)
    node = jnp.take(h_tan, src, axis=0).reshape(-1, 1, SUB_IN)
    msg_tangent = jnp.matmul(node, W).reshape(N_EDGES, D)
    msg_poincare = exp_map_zero(msg_tangent, C)
    msg_lorentz = to_lorentz(msg_poincare, C)
    # reduce_func: Lorentz weighted centroid per dst node (norm defaults to ones)
    norms = jnp.ones((N_EDGES,), dtype=h_hyper.dtype)
    deg = jax.ops.segment_sum(norms, dst, num_segments=N_NODES)
    w = norms / (jnp.take(deg, dst) + 1e-6)
    mu = jax.ops.segment_sum(msg_lorentz * w[:, None], dst, num_segments=N_NODES)
    inner = -(mu[:, 0] ** 2) + jnp.sum(mu[:, 1:] ** 2, axis=1)
    denom = SQRT_C * jnp.sqrt(jnp.maximum(-inner, 1e-10))
    h_lorentz_agg = mu / denom[:, None]  # zero-degree nodes stay exactly 0
    h_agg_poincare = to_poincare(h_lorentz_agg, C)
    h_new = jnp.clip(log_map_zero(h_agg_poincare, C), -10.0, 10.0)
    # self-loop: loop_weight for nodes with in-degree > 0, evolve_loop_weight otherwise
    loop_all = h_tan @ evolve_loop_weight
    loop_in = h_tan @ loop_weight
    loop_message = jnp.where((deg > 0)[:, None], loop_in, loop_all)
    h_new = jnp.clip(h_new + loop_message, -10.0, 10.0)
    return exp_map_zero(h_new, C)


def setup_inputs(seed: int = 0):
    key = jax.random.key(seed)
    k = jax.random.split(key, 6)
    h_hyper = jax.random.uniform(k[0], (N_NODES, D), dtype=jnp.float32)
    edge_index = jax.random.randint(k[1], (2, N_EDGES), 0, N_NODES, dtype=jnp.int32)
    edge_type = jax.random.randint(k[2], (N_EDGES,), 0, NUM_RELS, dtype=jnp.int32)
    gain = float(np.sqrt(2.0))
    a_w = gain * float(np.sqrt(6.0 / (NUM_RELS + NUM_BASES * SUB_IN * SUB_OUT)))
    weight = jax.random.uniform(k[3], (NUM_RELS, NUM_BASES * SUB_IN * SUB_OUT), minval=-a_w, maxval=a_w, dtype=jnp.float32)
    a_l = gain * float(np.sqrt(6.0 / (D + D)))
    loop_weight = jax.random.uniform(k[4], (D, D), minval=-a_l, maxval=a_l, dtype=jnp.float32)
    evolve_loop_weight = jax.random.uniform(k[5], (D, D), minval=-a_l, maxval=a_l, dtype=jnp.float32)
    return {"h_hyper": h_hyper, "weight": weight, "loop_weight": loop_weight, "evolve_loop_weight": evolve_loop_weight, "edge_index": edge_index, "edge_type": edge_type}


def reference(h_hyper, weight, loop_weight, evolve_loop_weight, edge_index, edge_type):
    return _forward(h_hyper, weight, loop_weight, evolve_loop_weight, edge_index, edge_type)

if __name__ == "__main__":
    import jax
    _d = setup_inputs()
    print(jax.jit(kernel)(*tuple(_d.values())))

</pallas_src>

<mosaic_0001>
#map = affine_map<(d0, d1) -> (0, 0)>
#map1 = affine_map<(d0, d1) -> (0)>
#map2 = affine_map<(d0, d1) -> (0, 0, 0)>
module attributes {stable_mosaic.version = 14 : i64} {
  func.func @_edge_kernel(%arg0: i32, %arg1: i32, %arg2: memref<10000x128xf32, #tpu.memory_space<hbm>>, %arg3: memref<200x256xf32, #tpu.memory_space<hbm>>, %arg4: memref<320000xi32, #tpu.memory_space<hbm>>, %arg5: memref<320000xi32, #tpu.memory_space<hbm>>, %arg6: memref<320000xi32, #tpu.memory_space<hbm>>, %arg7: memref<2x5000x136xf32, #tpu.memory_space<hbm>>, %arg8: memref<200x256xf32, #tpu.memory_space<vmem>>, %arg9: memref<128xi32, #tpu.memory_space<vmem>>, %arg10: memref<128xi32, #tpu.memory_space<vmem>>, %arg11: memref<128xi32, #tpu.memory_space<vmem>>, %arg12: memref<128xi32, #tpu.memory_space<vmem>>, %arg13: memref<128x128xf32, #tpu.memory_space<vmem>>, %arg14: memref<128x136xf32, #tpu.memory_space<vmem>>, %arg15: memref<128x16xf32, #tpu.memory_space<vmem>>, %arg16: memref<5008x136xf32, #tpu.memory_space<vmem_shared>>, %arg17: memref<!tpu.dma_semaphore, #tpu.memory_space<semaphore_mem>>) attributes {dimension_semantics = [#tpu.dimension_semantics<core_parallel>, #tpu.dimension_semantics<subcore_parallel>], iteration_bounds = array<i64: 2, 16>, scalar_prefetch = 0 : i64, scratch_operands = 10 : i64, tpu.core_type = #tpu.core_type<sc_vector_subcore>, window_params = [{transform_indices = #map}, {transform_indices = #map}, {transform_indices = #map1}, {transform_indices = #map1}, {transform_indices = #map1}, {transform_indices = #map2}]} {
    %iota3A = tpu.iota {dimensions = array<i32: 0>} : vector<16xi32>
    %broadcast_in_dim3A = arith.constant 0.000000e+00 : f32
    %broadcast_in_dim3A_0 = vector.broadcast %broadcast_in_dim3A : f32 to vector<16xf32>
    "tpu.region"() ({
      %run_scoped3A = tpu.sem_alloc : memref<!tpu.dma_semaphore, #tpu.memory_space<semaphore_mem>>
      tpu.enqueue_dma source(%arg3 : memref<200x256xf32, #tpu.memory_space<hbm>>) target(%arg8 : memref<200x256xf32, #tpu.memory_space<vmem>>) target_semaphore(%run_scoped3A : memref<!tpu.dma_semaphore, #tpu.memory_space<semaphore_mem>>)
      tpu.wait_dma2 semaphore(%run_scoped3A : memref<!tpu.dma_semaphore, #tpu.memory_space<semaphore_mem>>) src(%arg3 : memref<200x256xf32, #tpu.memory_space<hbm>>) dst(%arg8 : memref<200x256xf32, #tpu.memory_space<vmem>>)
      tpu.yield
    }) : () -> ()
    %scan3A = arith.constant 0 : i32
    %scan3A_1 = arith.constant 0 : i32
    %scan3A_2 = arith.constant 128 : i32
    %scan3A_3 = arith.addi %scan3A_1, %scan3A_2 : i32
    %scan3A_4 = arith.constant 1 : i32
    %scan3A_5 = scf.for %scan3A_56 = %scan3A_1 to %scan3A_3 step %scan3A_4 iter_args(%scan3A_57 = %scan3A) -> (i32)  : i32 {
      %swap3A = arith.index_cast %scan3A_56 : i32 to index
      %swap3A_58 = arith.constant 0 : index
      %swap3A_59 = tpu.vector_load %arg14[%swap3A, %swap3A_58] {strides = array<i32>} : memref<128x136xf32, #tpu.memory_space<vmem>>, vector<16xf32>,
      tpu.vector_store %arg14[%swap3A, %swap3A_58], %broadcast_in_dim3A_0 {strides = array<i32>} : memref<128x136xf32, #tpu.memory_space<vmem>>, vector<16xf32>,
      %swap3A_60 = arith.index_cast %scan3A_56 : i32 to index
      %swap3A_61 = arith.constant 16 : index
      %swap3A_62 = tpu.vector_load %arg14[%swap3A_60, %swap3A_61] {strides = array<i32>} : memref<128x136xf32, #tpu.memory_space<vmem>>, vector<16xf32>,
      tpu.vector_store %arg14[%swap3A_60, %swap3A_61], %broadcast_in_dim3A_0 {strides = array<i32>} : memref<128x136xf32, #tpu.memory_space<vmem>>, vector<16xf32>,
      %swap3A_63 = arith.index_cast %scan3A_56 : i32 to index
      %swap3A_64 = arith.constant 32 : index
      %swap3A_65 = tpu.vector_load %arg14[%swap3A_63, %swap3A_64] {strides = array<i32>} : memref<128x136xf32, #tpu.memory_space<vmem>>, vector<16xf32>,
      tpu.vector_store %arg14[%swap3A_63, %swap3A_64], %broadcast_in_dim3A_0 {strides = array<i32>} : memref<128x136xf32, #tpu.memory_space<vmem>>, vector<16xf32>,
      %swap3A_66 = arith.index_cast %scan3A_56 : i32 to index
      %swap3A_67 = arith.constant 48 : index
      %swap3A_68 = tpu.vector_load %arg14[%swap3A_66, %swap3A_67] {strides = array<i32>} : memref<128x136xf32, #tpu.memory_space<vmem>>, vector<16xf32>,
      tpu.vector_store %arg14[%swap3A_66, %swap3A_67], %broadcast_in_dim3A_0 {strides = array<i32>} : memref<128x136xf32, #tpu.memory_space<vmem>>, vector<16xf32>,
      %swap3A_69 = arith.index_cast %scan3A_56 : i32 to index
      %swap3A_70 = arith.constant 64 : index
      %swap3A_71 = tpu.vector_load %arg14[%swap3A_69, %swap3A_70] {strides = array<i32>} : memref<128x136xf32, #tpu.memory_space<vmem>>, vector<16xf32>,
      tpu.vector_store %arg14[%swap3A_69, %swap3A_70], %broadcast_in_dim3A_0 {strides = array<i32>} : memref<128x136xf32, #tpu.memory_space<vmem>>, vector<16xf32>,
      %swap3A_72 = arith.index_cast %scan3A_56 : i32 to index
      %swap3A_73 = arith.constant 80 : index
      %swap3A_74 = tpu.vector_load %arg14[%swap3A_72, %swap3A_73] {strides = array<i32>} : memref<128x136xf32, #tpu.memory_space<vmem>>, vector<16xf32>,
      tpu.vector_store %arg14[%swap3A_72, %swap3A_73], %broadcast_in_dim3A_0 {strides = array<i32>} : memref<128x136xf32, #tpu.memory_space<vmem>>, vector<16xf32>,
      %swap3A_75 = arith.index_cast %scan3A_56 : i32 to index
      %swap3A_76 = arith.constant 96 : index
      %swap3A_77 = tpu.vector_load %arg14[%swap3A_75, %swap3A_76] {strides = array<i32>} : memref<128x136xf32, #tpu.memory_space<vmem>>, vector<16xf32>,
      tpu.vector_store %arg14[%swap3A_75, %swap3A_76], %broadcast_in_dim3A_0 {strides = array<i32>} : memref<128x136xf32, #tpu.memory_space<vmem>>, vector<16xf32>,
      %swap3A_78 = arith.index_cast %scan3A_56 : i32 to index
      %swap3A_79 = arith.constant 112 : index
      %swap3A_80 = tpu.vector_load %arg14[%swap3A_78, %swap3A_79] {strides = array<i32>} : memref<128x136xf32, #tpu.memory_space<vmem>>, vector<16xf32>,
      tpu.vector_store %arg14[%swap3A_78, %swap3A_79], %broadcast_in_dim3A_0 {strides = array<i32>} : memref<128x136xf32, #tpu.memory_space<vmem>>, vector<16xf32>,
      %swap3A_81 = arith.index_cast %scan3A_56 : i32 to index
      %swap3A_82 = arith.constant 120 : index
      %swap3A_83 = tpu.vector_load %arg14[%swap3A_81, %swap3A_82] {strides = array<i32>} : memref<128x136xf32, #tpu.memory_space<vmem>>, vector<16xf32>,
      tpu.vector_store %arg14[%swap3A_81, %swap3A_82], %broadcast_in_dim3A_0 {strides = array<i32>} : memref<128x136xf32, #tpu.memory_space<vmem>>, vector<16xf32>,
      %scan3A_84 = arith.constant 0 : i32
      scf.yield %scan3A_84 : i32
    }
    %scan3A_6 = arith.constant 128 : i32
    %scan3A_7 = arith.constant 0 : i32
    %scan3A_8 = arith.constant 0 : i32
    %scan3A_9 = arith.constant 3 : i32
    %scan3A_10 = arith.addi %scan3A_8, %scan3A_9 : i32
    %scan3A_11 = arith.constant 1 : i32
    %scan3A_12 = scf.for %scan3A_56 = %scan3A_8 to %scan3A_10 step %scan3A_11 iter_args(%scan3A_57 = %scan3A_7) -> (i32)  : i32 {
      %mul3A_58 = arith.constant 16 : i32
      %mul3A_59 = arith.muli %scan3A_56, %mul3A_58 : i32
      %add3A_60 = arith.addi %arg1, %mul3A_59 : i32
      %lt3A_61 = arith.constant 39 : i32
      %lt3A_62 = arith.cmpi slt, %add3A_60, %lt3A_61 : i32
      %convert_element_type3A_63 = arith.extui %lt3A_62 : i1 to i32
      %cond3A_64 = arith.constant 0 : i32
      %cond3A_65 = arith.cmpi ne, %convert_element_type3A_63, %cond3A_64 : i32
      scf.if %cond3A_65 {
        %mul3A_67 = arith.constant 128 : i32
        %mul3A_68 = arith.muli %add3A_60, %mul3A_67 : i32
        "tpu.region"() ({
          %run_scoped3A = tpu.sem_alloc : memref<!tpu.dma_semaphore, #tpu.memory_space<semaphore_mem>>
          %dma_start3A = arith.constant 0 : i32
          %dma_start3A_69 = tpu.memref_slice %arg16[%mul3A_68, %dma_start3A] : memref<5008x136xf32, #tpu.memory_space<vmem_shared>> -> memref<128x136xf32, #tpu.memory_space<vmem_shared>>
          %dma_start3A_70 = arith.constant 0 : i32
          %dma_start3A_71 = tpu.memref_slice %arg16[%mul3A_68, %dma_start3A_70] : memref<5008x136xf32, #tpu.memory_space<vmem_shared>> -> memref<128x136xf32, #tpu.memory_space<vmem_shared>>
          tpu.enqueue_dma source(%arg14 : memref<128x136xf32, #tpu.memory_space<vmem>>) target(%dma_start3A_71 : memref<128x136xf32, #tpu.memory_space<vmem_shared>>) target_semaphore(%run_scoped3A : memref<!tpu.dma_semaphore, #tpu.memory_space<semaphore_mem>>)
          %dma_wait3A = arith.constant 0 : i32
          %dma_wait3A_72 = tpu.memref_slice %arg16[%mul3A_68, %dma_wait3A] : memref<5008x136xf32, #tpu.memory_space<vmem_shared>> -> memref<128x136xf32, #tpu.memory_space<vmem_shared>>
          %dma_wait3A_73 = arith.constant 0 : i32
          %dma_wait3A_74 = tpu.memref_slice %arg16[%mul3A_68, %dma_wait3A_73] : memref<5008x136xf32, #tpu.memory_space<vmem_shared>> -> memref<128x136xf32, #tpu.memory_space<vmem_shared>>
          tpu.wait_dma2 semaphore(%run_scoped3A : memref<!tpu.dma_semaphore, #tpu.memory_space<semaphore_mem>>) src(%arg14 : memref<128x136xf32, #tpu.memory_space<vmem>>) dst(%dma_wait3A_74 : memref<128x136xf32, #tpu.memory_space<vmem_shared>>)
          tpu.yield
        }) : () -> ()
      } else {
      }
      %scan3A_66 = arith.constant 0 : i32
      scf.yield %scan3A_66 : i32
    }
    %scan3A_13 = arith.constant 3 : i32
    %eq3A = arith.constant 15 : i32
    %eq3A_14 = arith.cmpi eq, %arg1, %eq3A : i32
    %convert_element_type3A = arith.extui %eq3A_14 : i1 to i32
    %cond3A = arith.constant 0 : i32
    %cond3A_15 = arith.cmpi ne, %convert_element_type3A, %cond3A : i32
    scf.if %cond3A_15 {
      "tpu.region"() ({
        %run_scoped3A = tpu.sem_alloc : memref<!tpu.dma_semaphore, #tpu.memory_space<semaphore_mem>>
        %dma_start3A = arith.constant 0 : i32
        %dma_start3A_56 = arith.constant 0 : i32
        %dma_start3A_57 = tpu.memref_slice %arg14[%dma_start3A, %dma_start3A_56] : memref<128x136xf32, #tpu.memory_space<vmem>> -> memref<16x136xf32, #tpu.memory_space<vmem>>
        %dma_start3A_58 = arith.constant 4992 : i32
        %dma_start3A_59 = arith.constant 0 : i32
        %dma_start3A_60 = tpu.memref_slice %arg16[%dma_start3A_58, %dma_start3A_59] : memref<5008x136xf32, #tpu.memory_space<vmem_shared>> -> memref<16x136xf32, #tpu.memory_space<vmem_shared>>
        %dma_start3A_61 = arith.constant 4992 : i32
        %dma_start3A_62 = arith.constant 0 : i32
        %dma_start3A_63 = tpu.memref_slice %arg16[%dma_start3A_61, %dma_start3A_62] : memref<5008x136xf32, #tpu.memory_space<vmem_shared>> -> memref<16x136xf32, #tpu.memory_space<vmem_shared>>
        %dma_start3A_64 = arith.constant 0 : i32
        %dma_start3A_65 = arith.constant 0 : i32
        %dma_start3A_66 = tpu.memref_slice %arg14[%dma_start3A_64, %dma_start3A_65] : memref<128x136xf32, #tpu.memory_space<vmem>> -> memref<16x136xf32, #tpu.memory_space<vmem>>
        tpu.enqueue_dma source(%dma_start3A_66 : memref<16x136xf32, #tpu.memory_space<vmem>>) target(%dma_start3A_63 : memref<16x136xf32, #tpu.memory_space<vmem_shared>>) target_semaphore(%run_scoped3A : memref<!tpu.dma_semaphore, #tpu.memory_space<semaphore_mem>>)
        %dma_wait3A = arith.constant 0 : i32
        %dma_wait3A_67 = arith.constant 0 : i32
        %dma_wait3A_68 = tpu.memref_slice %arg14[%dma_wait3A, %dma_wait3A_67] : memref<128x136xf32, #tpu.memory_space<vmem>> -> memref<16x136xf32, #tpu.memory_space<vmem>>
        %dma_wait3A_69 = arith.constant 4992 : i32
        %dma_wait3A_70 = arith.constant 0 : i32
        %dma_wait3A_71 = tpu.memref_slice %arg16[%dma_wait3A_69, %dma_wait3A_70] : memref<5008x136xf32, #tpu.memory_space<vmem_shared>> -> memref<16x136xf32, #tpu.memory_space<vmem_shared>>
        %dma_wait3A_72 = arith.constant 4992 : i32
        %dma_wait3A_73 = arith.constant 0 : i32
        %dma_wait3A_74 = tpu.memref_slice %arg16[%dma_wait3A_72, %dma_wait3A_73] : memref<5008x136xf32, #tpu.memory_space<vmem_shared>> -> memref<16x136xf32, #tpu.memory_space<vmem_shared>>
        %dma_wait3A_75 = arith.constant 0 : i32
        %dma_wait3A_76 = arith.constant 0 : i32
        %dma_wait3A_77 = tpu.memref_slice %arg14[%dma_wait3A_75, %dma_wait3A_76] : memref<128x136xf32, #tpu.memory_space<vmem>> -> memref<16x136xf32, #tpu.memory_space<vmem>>
        tpu.wait_dma2 semaphore(%run_scoped3A : memref<!tpu.dma_semaphore, #tpu.memory_space<semaphore_mem>>) src(%dma_wait3A_77 : memref<16x136xf32, #tpu.memory_space<vmem>>) dst(%dma_wait3A_74 : memref<16x136xf32, #tpu.memory_space<vmem_shared>>)
        tpu.yield
      }) : () -> ()
    } else {
    }
    %and3A = arith.constant 7 : i32
    %and3A_16 = vector.broadcast %and3A : i32 to vector<16xi32>
    %and3A_17 = arith.andi %iota3A, %and3A_16 : vector<16xi32>
    %add3A = arith.constant 128 : i32
    %add3A_18 = vector.broadcast %add3A : i32 to vector<16xi32>
    %add3A_19 = arith.addi %add3A_18, %and3A_17 : vector<16xi32>
    %lt3A = arith.constant 8 : i32
    %lt3A_20 = vector.broadcast %lt3A : i32 to vector<16xi32>
    %lt3A_21 = arith.cmpi slt, %iota3A, %lt3A_20 : vector<16xi32>
    %eq3A_22 = arith.constant 1 : i32
    %eq3A_23 = vector.broadcast %eq3A_22 : i32 to vector<16xi32>
    %eq3A_24 = arith.cmpi eq, %iota3A, %eq3A_23 : vector<16xi32>
    %jit3A = arith.constant 1.000000e+00 : f32
    %jit3A_25 = arith.constant 0.000000e+00 : f32
    %broadcast_in_dim3A_26 = vector.broadcast %jit3A : f32 to vector<16xf32>
    %broadcast_in_dim3A_27 = vector.broadcast %jit3A_25 : f32 to vector<16xf32>
    %select_n3A = arith.select %eq3A_24, %broadcast_in_dim3A_26, %broadcast_in_dim3A_27 : vector<16xi1>, vector<16xf32>
    %scan3A_28 = arith.constant 0 : i32
    %scan3A_29 = arith.constant 0 : i32
    %scan3A_30 = arith.constant 128 : i32
    %scan3A_31 = arith.addi %scan3A_29, %scan3A_30 : i32
    %scan3A_32 = arith.constant 1 : i32
    %scan3A_33 = scf.for %scan3A_56 = %scan3A_29 to %scan3A_31 step %scan3A_32 iter_args(%scan3A_57 = %scan3A_28) -> (i32)  : i32 {
      %broadcast_in_dim3A_58 = vector.broadcast %scan3A_56 : i32 to vector<16xi32>
      tpu.vector_store_idx %arg14[%broadcast_in_dim3A_58, %add3A_19], %select_n3A masked %lt3A_21 : memref<128x136xf32, #tpu.memory_space<vmem>>[vector<16xi32>, vector<16xi32>], vector<16xf32>, vector<16xi1>
      %scan3A_59 = arith.constant 0 : i32
      scf.yield %scan3A_59 : i32
    }
    %scan3A_34 = arith.constant 128 : i32
    %barrier3A = arith.constant 0 : index
    tpu.barrier barrier_id(%barrier3A)
    %mul3A = arith.constant 5000 : i32
    %mul3A_35 = arith.muli %arg0, %mul3A : i32
    %scan3A_36 = arith.constant 0 : i32
    %scan3A_37 = arith.constant 0 : i32
    %scan3A_38 = arith.constant 157 : i32
    %scan3A_39 = arith.addi %scan3A_37, %scan3A_38 : i32
    %scan3A_40 = arith.constant 1 : i32
    %scan3A_41 = scf.for %scan3A_56 = %scan3A_37 to %scan3A_39 step %scan3A_40 iter_args(%scan3A_57 = %scan3A_36) -> (i32)  : i32 {
      %mul3A_58 = arith.constant 16 : i32
      %mul3A_59 = arith.muli %scan3A_56, %mul3A_58 : i32
      %add3A_60 = arith.addi %arg1, %mul3A_59 : i32
      %lt3A_61 = arith.constant 2500 : i32
      %lt3A_62 = arith.cmpi slt, %add3A_60, %lt3A_61 : i32
      %convert_element_type3A_63 = arith.extui %lt3A_62 : i1 to i32
      %cond3A_64 = arith.constant 0 : i32
      %cond3A_65 = arith.cmpi ne, %convert_element_type3A_63, %cond3A_64 : i32
      scf.if %cond3A_65 {
        %mul3A_67 = arith.constant 128 : i32
        %mul3A_68 = arith.muli %add3A_60, %mul3A_67 : i32
        "tpu.region"() ({
          %run_scoped3A = tpu.sem_alloc : memref<!tpu.dma_semaphore, #tpu.memory_space<semaphore_mem>>
          %dma_start3A_80 = tpu.memref_slice %arg4[%mul3A_68] : memref<320000xi32, #tpu.memory_space<hbm>> -> memref<128xi32, #tpu.memory_space<hbm>>
          %dma_start3A_81 = tpu.memref_slice %arg4[%mul3A_68] : memref<320000xi32, #tpu.memory_space<hbm>> -> memref<128xi32, #tpu.memory_space<hbm>>
          tpu.enqueue_dma source(%dma_start3A_81 : memref<128xi32, #tpu.memory_space<hbm>>) target(%arg9 : memref<128xi32, #tpu.memory_space<vmem>>) target_semaphore(%run_scoped3A : memref<!tpu.dma_semaphore, #tpu.memory_space<semaphore_mem>>)
          %dma_wait3A_82 = tpu.memref_slice %arg4[%mul3A_68] : memref<320000xi32, #tpu.memory_space<hbm>> -> memref<128xi32, #tpu.memory_space<hbm>>
          %dma_wait3A_83 = tpu.memref_slice %arg4[%mul3A_68] : memref<320000xi32, #tpu.memory_space<hbm>> -> memref<128xi32, #tpu.memory_space<hbm>>
          tpu.wait_dma2 semaphore(%run_scoped3A : memref<!tpu.dma_semaphore, #tpu.memory_space<semaphore_mem>>) src(%dma_wait3A_83 : memref<128xi32, #tpu.memory_space<hbm>>) dst(%arg9 : memref<128xi32, #tpu.memory_space<vmem>>)
          tpu.yield
        }) : () -> ()
        "tpu.region"() ({
          %run_scoped3A = tpu.sem_alloc : memref<!tpu.dma_semaphore, #tpu.memory_space<semaphore_mem>>
          %dma_start3A_80 = tpu.memref_slice %arg5[%mul3A_68] : memref<320000xi32, #tpu.memory_space<hbm>> -> memref<128xi32, #tpu.memory_space<hbm>>
          %dma_start3A_81 = tpu.memref_slice %arg5[%mul3A_68] : memref<320000xi32, #tpu.memory_space<hbm>> -> memref<128xi32, #tpu.memory_space<hbm>>
          tpu.enqueue_dma source(%dma_start3A_81 : memref<128xi32, #tpu.memory_space<hbm>>) target(%arg10 : memref<128xi32, #tpu.memory_space<vmem>>) target_semaphore(%run_scoped3A : memref<!tpu.dma_semaphore, #tpu.memory_space<semaphore_mem>>)
          %dma_wait3A_82 = tpu.memref_slice %arg5[%mul3A_68] : memref<320000xi32, #tpu.memory_space<hbm>> -> memref<128xi32, #tpu.memory_space<hbm>>
          %dma_wait3A_83 = tpu.memref_slice %arg5[%mul3A_68] : memref<320000xi32, #tpu.memory_space<hbm>> -> memref<128xi32, #tpu.memory_space<hbm>>
          tpu.wait_dma2 semaphore(%run_scoped3A : memref<!tpu.dma_semaphore, #tpu.memory_space<semaphore_mem>>) src(%dma_wait3A_83 : memref<128xi32, #tpu.memory_space<hbm>>) dst(%arg10 : memref<128xi32, #tpu.memory_space<vmem>>)
          tpu.yield
        }) : () -> ()
        "tpu.region"() ({
          %run_scoped3A = tpu.sem_alloc : memref<!tpu.dma_semaphore, #tpu.memory_space<semaphore_mem>>
          %dma_start3A_80 = tpu.memref_slice %arg6[%mul3A_68] : memref<320000xi32, #tpu.memory_space<hbm>> -> memref<128xi32, #tpu.memory_space<hbm>>
          %dma_start3A_81 = tpu.memref_slice %arg6[%mul3A_68] : memref<320000xi32, #tpu.memory_space<hbm>> -> memref<128xi32, #tpu.memory_space<hbm>>
          tpu.enqueue_dma source(%dma_start3A_81 : memref<128xi32, #tpu.memory_space<hbm>>) target(%arg12 : memref<128xi32, #tpu.memory_space<vmem>>) target_semaphore(%run_scoped3A : memref<!tpu.dma_semaphore, #tpu.memory_space<semaphore_mem>>)
          %dma_wait3A_82 = tpu.memref_slice %arg6[%mul3A_68] : memref<320000xi32, #tpu.memory_space<hbm>> -> memref<128xi32, #tpu.memory_space<hbm>>
          %dma_wait3A_83 = tpu.memref_slice %arg6[%mul3A_68] : memref<320000xi32, #tpu.memory_space<hbm>> -> memref<128xi32, #tpu.memory_space<hbm>>
          tpu.wait_dma2 semaphore(%run_scoped3A : memref<!tpu.dma_semaphore, #tpu.memory_space<semaphore_mem>>) src(%dma_wait3A_83 : memref<128xi32, #tpu.memory_space<hbm>>) dst(%arg12 : memref<128xi32, #tpu.memory_space<vmem>>)
          tpu.yield
        }) : () -> ()
        %dma_start3A = arith.constant 0 : i32
        %dma_start3A_69 = arith.constant 0 : i32
        %dma_start3A_70 = tpu.memref_slice %arg2[%dma_start3A, %dma_start3A_69] : memref<10000x128xf32, #tpu.memory_space<hbm>> -> memref<10000x128xf32, #tpu.memory_space<hbm>>
        tpu.enqueue_indirect_dma source(%dma_start3A_70 : memref<10000x128xf32, #tpu.memory_space<hbm>>) target(%arg13 : memref<128x128xf32, #tpu.memory_space<vmem>>) offsets(%arg9 : memref<128xi32, #tpu.memory_space<vmem>>) semaphore(%arg17 : memref<!tpu.dma_semaphore, #tpu.memory_space<semaphore_mem>>)
        %dma_wait3A = arith.constant 0 : i32
        %dma_wait3A_71 = arith.constant 0 : i32
        %dma_wait3A_72 = tpu.memref_slice %arg2[%dma_wait3A, %dma_wait3A_71] : memref<10000x128xf32, #tpu.memory_space<hbm>> -> memref<10000x128xf32, #tpu.memory_space<hbm>>
        tpu.wait_indirect_dma semaphore(%arg17 : memref<!tpu.dma_semaphore, #tpu.memory_space<semaphore_mem>>) src(%dma_wait3A_72 : memref<10000x128xf32, #tpu.memory_space<hbm>>) dst(%arg13 : memref<128x128xf32, #tpu.memory_space<vmem>>)
        %scan3A_73 = arith.constant 0 : i32
        %scan3A_74 = arith.constant 0 : i32
        %scan3A_75 = arith.constant 8 : i32
        %scan3A_76 = arith.addi %scan3A_74, %scan3A_75 : i32
        %scan3A_77 = arith.constant 1 : i32
        %scan3A_78 = scf.for %scan3A_80 = %scan3A_74 to %scan3A_76 step %scan3A_77 iter_args(%scan3A_81 = %scan3A_73) -> (i32)  : i32 {
          %mul3A_82 = arith.constant 16 : i32
          %mul3A_83 = arith.muli %scan3A_80, %mul3A_82 : i32
          %add3A_84 = vector.broadcast %mul3A_83 : i32 to vector<16xi32>
          %add3A_85 = arith.addi %add3A_84, %iota3A : vector<16xi32>
          %mul3A_86 = arith.constant 16 : i32
          %mul3A_87 = arith.muli %scan3A_80, %mul3A_86 : i32
          %get3A = arith.index_cast %mul3A_87 : i32 to index
          %get3A_88 = tpu.vector_load %arg12[%get3A] {strides = array<i32>} : memref<128xi32, #tpu.memory_space<vmem>>, vector<16xi32>,
          %scan3A_89 = arith.constant 0 : i32
          %scan3A_90 = arith.constant 64 : i32
          %scan3A_91 = arith.addi %scan3A_89, %scan3A_90 : i32
          %scan3A_92 = arith.constant 1 : i32
          %scan3A_93 = scf.for %scan3A_196 = %scan3A_89 to %scan3A_91 step %scan3A_92 iter_args(%scan3A_197 = %broadcast_in_dim3A_0) -> (vector<16xf32>)  : i32 {
            %broadcast_in_dim3A_198 = vector.broadcast %scan3A_196 : i32 to vector<16xi32>
            %gather3A = tpu.vector_load_idx %arg13[%add3A_85, %broadcast_in_dim3A_198] : memref<128x128xf32, #tpu.memory_space<vmem>>[vector<16xi32>, vector<16xi32>], vector<16xf32>,
            %add3A_199 = arith.constant 64 : i32
            %add3A_200 = vector.broadcast %add3A_199 : i32 to vector<16xi32>
            %add3A_201 = arith.addi %broadcast_in_dim3A_198, %add3A_200 : vector<16xi32>
            %gather3A_202 = tpu.vector_load_idx %arg13[%add3A_85, %add3A_201] : memref<128x128xf32, #tpu.memory_space<vmem>>[vector<16xi32>, vector<16xi32>], vector<16xf32>,
            %gather3A_203 = tpu.vector_load_idx %arg8[%get3A_88, %broadcast_in_dim3A_198] : memref<200x256xf32, #tpu.memory_space<vmem>>[vector<16xi32>, vector<16xi32>], vector<16xf32>,
            %add3A_204 = arith.constant 64 : i32
            %add3A_205 = vector.broadcast %add3A_204 : i32 to vector<16xi32>
            %add3A_206 = arith.addi %broadcast_in_dim3A_198, %add3A_205 : vector<16xi32>
            %gather3A_207 = tpu.vector_load_idx %arg8[%get3A_88, %add3A_206] : memref<200x256xf32, #tpu.memory_space<vmem>>[vector<16xi32>, vector<16xi32>], vector<16xf32>,
            %add3A_208 = arith.constant 128 : i32
            %add3A_209 = vector.broadcast %add3A_208 : i32 to vector<16xi32>
            %add3A_210 = arith.addi %broadcast_in_dim3A_198, %add3A_209 : vector<16xi32>
            %gather3A_211 = tpu.vector_load_idx %arg8[%get3A_88, %add3A_210] : memref<200x256xf32, #tpu.memory_space<vmem>>[vector<16xi32>, vector<16xi32>], vector<16xf32>,
            %add3A_212 = arith.constant 192 : i32
            %add3A_213 = vector.broadcast %add3A_212 : i32 to vector<16xi32>
            %add3A_214 = arith.addi %broadcast_in_dim3A_198, %add3A_213 : vector<16xi32>
            %gather3A_215 = tpu.vector_load_idx %arg8[%get3A_88, %add3A_214] : memref<200x256xf32, #tpu.memory_space<vmem>>[vector<16xi32>, vector<16xi32>], vector<16xf32>,
            %mul3A_216 = arith.mulf %gather3A, %gather3A_203 : vector<16xf32>
            %mul3A_217 = arith.mulf %gather3A_202, %gather3A_211 : vector<16xf32>
            %add3A_218 = arith.addf %mul3A_216, %mul3A_217 : vector<16xf32>
            %mul3A_219 = arith.mulf %gather3A, %gather3A_207 : vector<16xf32>
            %mul3A_220 = arith.mulf %gather3A_202, %gather3A_215 : vector<16xf32>
            %add3A_221 = arith.addf %mul3A_219, %mul3A_220 : vector<16xf32>
            %swap3A_222 = arith.index_cast %scan3A_196 : i32 to index
            %swap3A_223 = arith.constant 0 : index
            %swap3A_224 = tpu.vector_load %arg15[%swap3A_222, %swap3A_223] {strides = array<i32>} : memref<128x16xf32, #tpu.memory_space<vmem>>, vector<16xf32>,
            tpu.vector_store %arg15[%swap3A_222, %swap3A_223], %add3A_218 {strides = array<i32>} : memref<128x16xf32, #tpu.memory_space<vmem>>, vector<16xf32>,
            %add3A_225 = arith.constant 64 : i32
            %add3A_226 = arith.addi %add3A_225, %scan3A_196 : i32
            %swap3A_227 = arith.index_cast %add3A_226 : i32 to index
            %swap3A_228 = arith.constant 0 : index
            %swap3A_229 = tpu.vector_load %arg15[%swap3A_227, %swap3A_228] {strides = array<i32>} : memref<128x16xf32, #tpu.memory_space<vmem>>, vector<16xf32>,
            tpu.vector_store %arg15[%swap3A_227, %swap3A_228], %add3A_221 {strides = array<i32>} : memref<128x16xf32, #tpu.memory_space<vmem>>, vector<16xf32>,
            %mul3A_230 = arith.mulf %add3A_218, %add3A_218 : vector<16xf32>
            %add3A_231 = arith.addf %scan3A_197, %mul3A_230 : vector<16xf32>
            %mul3A_232 = arith.mulf %add3A_221, %add3A_221 : vector<16xf32>
            %add3A_233 = arith.addf %add3A_231, %mul3A_232 : vector<16xf32>
            scf.yield %add3A_233 : vector<16xf32>
          }
          %scan3A_94 = arith.constant 64 : i32
          %add3A_95 = arith.constant 1.000000e-15 : f32
          %add3A_96 = vector.broadcast %add3A_95 : f32 to vector<16xf32>
          %add3A_97 = arith.addf %scan3A_93, %add3A_96 : vector<16xf32>
          %bitcast_convert_type3A = tpu.bitcast %add3A_97 : vector<16xf32> -> vector<16xi32>
          %shift_right_arithmetic3A = arith.constant 1 : i32
          %shift_right_arithmetic3A_98 = vector.broadcast %shift_right_arithmetic3A : i32 to vector<16xi32>
          %shift_right_arithmetic3A_99 = arith.shrsi %bitcast_convert_type3A, %shift_right_arithmetic3A_98 : vector<16xi32>
          %sub3A = arith.constant 1597463007 : i32
          %sub3A_100 = vector.broadcast %sub3A : i32 to vector<16xi32>
          %sub3A_101 = arith.subi %sub3A_100, %shift_right_arithmetic3A_99 : vector<16xi32>
          %bitcast_convert_type3A_102 = tpu.bitcast %sub3A_101 : vector<16xi32> -> vector<16xf32>
          %mul3A_103 = arith.constant 5.000000e-01 : f32
          %mul3A_104 = vector.broadcast %mul3A_103 : f32 to vector<16xf32>
          %mul3A_105 = arith.mulf %mul3A_104, %add3A_97 : vector<16xf32>
          %mul3A_106 = arith.mulf %mul3A_105, %bitcast_convert_type3A_102 : vector<16xf32>
          %mul3A_107 = arith.mulf %mul3A_106, %bitcast_convert_type3A_102 : vector<16xf32>
          %sub3A_108 = arith.constant 1.500000e+00 : f32
          %sub3A_109 = vector.broadcast %sub3A_108 : f32 to vector<16xf32>
          %sub3A_110 = arith.subf %sub3A_109, %mul3A_107 : vector<16xf32>
          %mul3A_111 = arith.mulf %bitcast_convert_type3A_102, %sub3A_110 : vector<16xf32>
          %mul3A_112 = arith.constant 5.000000e-01 : f32
          %mul3A_113 = vector.broadcast %mul3A_112 : f32 to vector<16xf32>
          %mul3A_114 = arith.mulf %mul3A_113, %add3A_97 : vector<16xf32>
          %mul3A_115 = arith.mulf %mul3A_114, %mul3A_111 : vector<16xf32>
          %mul3A_116 = arith.mulf %mul3A_115, %mul3A_111 : vector<16xf32>
          %sub3A_117 = arith.constant 1.500000e+00 : f32
          %sub3A_118 = vector.broadcast %sub3A_117 : f32 to vector<16xf32>
          %sub3A_119 = arith.subf %sub3A_118, %mul3A_116 : vector<16xf32>
          %mul3A_120 = arith.mulf %mul3A_111, %sub3A_119 : vector<16xf32>
          %mul3A_121 = arith.constant 5.000000e-01 : f32
          %mul3A_122 = vector.broadcast %mul3A_121 : f32 to vector<16xf32>
          %mul3A_123 = arith.mulf %mul3A_122, %add3A_97 : vector<16xf32>
          %mul3A_124 = arith.mulf %mul3A_123, %mul3A_120 : vector<16xf32>
          %mul3A_125 = arith.mulf %mul3A_124, %mul3A_120 : vector<16xf32>
          %sub3A_126 = arith.constant 1.500000e+00 : f32
          %sub3A_127 = vector.broadcast %sub3A_126 : f32 to vector<16xf32>
          %sub3A_128 = arith.subf %sub3A_127, %mul3A_125 : vector<16xf32>
          %mul3A_129 = arith.mulf %mul3A_120, %sub3A_128 : vector<16xf32>
          %mul3A_130 = arith.mulf %add3A_97, %mul3A_129 : vector<16xf32>
          %mul3A_131 = arith.constant 2.000000e-01 : f32
          %mul3A_132 = vector.broadcast %mul3A_131 : f32 to vector<16xf32>
          %mul3A_133 = arith.mulf %mul3A_132, %mul3A_130 : vector<16xf32>
          %exp3A = math.exp %mul3A_133 : vector<16xf32>
          %sub3A_134 = arith.constant 1.000000e+00 : f32
          %sub3A_135 = vector.broadcast %sub3A_134 : f32 to vector<16xf32>
          %sub3A_136 = arith.subf %exp3A, %sub3A_135 : vector<16xf32>
          %add3A_137 = arith.constant 1.000000e+00 : f32
          %add3A_138 = vector.broadcast %add3A_137 : f32 to vector<16xf32>
          %add3A_139 = arith.addf %exp3A, %add3A_138 : vector<16xf32>
          %div3A = arith.divf %sub3A_136, %add3A_139 : vector<16xf32>
          %mul3A_140 = arith.constant 1.000000e+01 : f32
          %mul3A_141 = vector.broadcast %mul3A_140 : f32 to vector<16xf32>
          %mul3A_142 = arith.mulf %mul3A_141, %div3A : vector<16xf32>
          %mul3A_143 = arith.mulf %mul3A_142, %mul3A_129 : vector<16xf32>
          %mul3A_144 = arith.mulf %scan3A_93, %mul3A_143 : vector<16xf32>
          %mul3A_145 = arith.mulf %mul3A_144, %mul3A_143 : vector<16xf32>
          %mul3A_146 = arith.constant 0.00999999977 : f32
          %mul3A_147 = vector.broadcast %mul3A_146 : f32 to vector<16xf32>
          %mul3A_148 = arith.mulf %mul3A_147, %mul3A_145 : vector<16xf32>
          %sub3A_149 = arith.constant 1.000000e+00 : f32
          %sub3A_150 = vector.broadcast %sub3A_149 : f32 to vector<16xf32>
          %sub3A_151 = arith.subf %sub3A_150, %mul3A_148 : vector<16xf32>
          %max3A = arith.constant 9.99999997E-7 : f32
          %max3A_152 = vector.broadcast %max3A : f32 to vector<16xf32>
          %max3A_153 = arith.maximumf %sub3A_151, %max3A_152 : vector<16xf32>
          %mul3A_154 = arith.constant 0.00999999977 : f32
          %mul3A_155 = vector.broadcast %mul3A_154 : f32 to vector<16xf32>
          %mul3A_156 = arith.mulf %mul3A_155, %mul3A_145 : vector<16xf32>
          %add3A_157 = arith.constant 1.000000e+00 : f32
          %add3A_158 = vector.broadcast %add3A_157 : f32 to vector<16xf32>
          %add3A_159 = arith.addf %add3A_158, %mul3A_156 : vector<16xf32>
          %mul3A_160 = arith.constant 1.000000e-01 : f32
          %mul3A_161 = vector.broadcast %mul3A_160 : f32 to vector<16xf32>
          %mul3A_162 = arith.mulf %mul3A_161, %max3A_153 : vector<16xf32>
          %div3A_163 = arith.divf %add3A_159, %mul3A_162 : vector<16xf32>
          %mul3A_164 = arith.constant 2.000000e+00 : f32
          %mul3A_165 = vector.broadcast %mul3A_164 : f32 to vector<16xf32>
          %mul3A_166 = arith.mulf %mul3A_165, %mul3A_143 : vector<16xf32>
          %div3A_167 = arith.divf %mul3A_166, %max3A_153 : vector<16xf32>
          %scan3A_168 = arith.constant 0 : i32
          %scan3A_169 = arith.constant 0 : i32
          %scan3A_170 = arith.constant 64 : i32
          %scan3A_171 = arith.addi %scan3A_169, %scan3A_170 : i32
          %scan3A_172 = arith.constant 1 : i32
          %scan3A_173 = scf.for %scan3A_196 = %scan3A_169 to %scan3A_171 step %scan3A_172 iter_args(%scan3A_197 = %scan3A_168) -> (i32)  : i32 {
            %broadcast_in_dim3A_198 = vector.broadcast %scan3A_196 : i32 to vector<16xi32>
            %get3A_199 = arith.index_cast %scan3A_196 : i32 to index
            %get3A_200 = arith.constant 0 : index
            %get3A_201 = tpu.vector_load %arg15[%get3A_199, %get3A_200] {strides = array<i32>} : memref<128x16xf32, #tpu.memory_space<vmem>>, vector<16xf32>,
            %mul3A_202 = arith.mulf %get3A_201, %div3A_167 : vector<16xf32>
            tpu.vector_store_idx %arg14[%add3A_85, %broadcast_in_dim3A_198], %mul3A_202 : memref<128x136xf32, #tpu.memory_space<vmem>>[vector<16xi32>, vector<16xi32>], vector<16xf32>,
            %add3A_203 = arith.constant 64 : i32
            %add3A_204 = vector.broadcast %add3A_203 : i32 to vector<16xi32>
            %add3A_205 = arith.addi %broadcast_in_dim3A_198, %add3A_204 : vector<16xi32>
            %add3A_206 = arith.constant 64 : i32
            %add3A_207 = arith.addi %add3A_206, %scan3A_196 : i32
            %get3A_208 = arith.index_cast %add3A_207 : i32 to index
            %get3A_209 = arith.constant 0 : index
            %get3A_210 = tpu.vector_load %arg15[%get3A_208, %get3A_209] {strides = array<i32>} : memref<128x16xf32, #tpu.memory_space<vmem>>, vector<16xf32>,
            %mul3A_211 = arith.mulf %get3A_210, %div3A_167 : vector<16xf32>
            tpu.vector_store_idx %arg14[%add3A_85, %add3A_205], %mul3A_211 : memref<128x136xf32, #tpu.memory_space<vmem>>[vector<16xi32>, vector<16xi32>], vector<16xf32>,
            %scan3A_212 = arith.constant 0 : i32
            scf.yield %scan3A_212 : i32
          }
          %scan3A_174 = arith.constant 64 : i32
          %broadcast_in_dim3A_175 = arith.constant 128 : i32
          %broadcast_in_dim3A_176 = vector.broadcast %broadcast_in_dim3A_175 : i32 to vector<16xi32>
          tpu.vector_store_idx %arg14[%add3A_85, %broadcast_in_dim3A_176], %div3A_163 : memref<128x136xf32, #tpu.memory_space<vmem>>[vector<16xi32>, vector<16xi32>], vector<16xf32>,
          %mul3A_177 = arith.constant 16 : i32
          %mul3A_178 = arith.muli %scan3A_80, %mul3A_177 : i32
          %get3A_179 = arith.index_cast %mul3A_178 : i32 to index
          %get3A_180 = tpu.vector_load %arg10[%get3A_179] {strides = array<i32>} : memref<128xi32, #tpu.memory_space<vmem>>, vector<16xi32>,
          %sub3A_181 = vector.broadcast %mul3A_35 : i32 to vector<16xi32>
          %sub3A_182 = arith.subi %get3A_180, %sub3A_181 : vector<16xi32>
          %ge3A = arith.constant 0 : i32
          %ge3A_183 = vector.broadcast %ge3A : i32 to vector<16xi32>
          %ge3A_184 = arith.cmpi sge, %sub3A_182, %ge3A_183 : vector<16xi32>
          %lt3A_185 = arith.constant 5000 : i32
          %lt3A_186 = vector.broadcast %lt3A_185 : i32 to vector<16xi32>
          %lt3A_187 = arith.cmpi slt, %sub3A_182, %lt3A_186 : vector<16xi32>
          %and3A_188 = arith.andi %ge3A_184, %lt3A_187 : vector<16xi1>
          %jit3A_189 = arith.constant 5000 : i32
          %broadcast_in_dim3A_190 = vector.broadcast %jit3A_189 : i32 to vector<16xi32>
          %select_n3A_191 = arith.select %and3A_188, %sub3A_182, %broadcast_in_dim3A_190 : vector<16xi1>, vector<16xi32>
          %mul3A_192 = arith.constant 16 : i32
          %mul3A_193 = arith.muli %scan3A_80, %mul3A_192 : i32
          %swap3A = arith.index_cast %mul3A_193 : i32 to index
          %swap3A_194 = tpu.vector_load %arg11[%swap3A] {strides = array<i32>} : memref<128xi32, #tpu.memory_space<vmem>>, vector<16xi32>,
          tpu.vector_store %arg11[%swap3A], %select_n3A_191 {strides = array<i32>} : memref<128xi32, #tpu.memory_space<vmem>>, vector<16xi32>,
          %scan3A_195 = arith.constant 0 : i32
          scf.yield %scan3A_195 : i32
        }
        %scan3A_79 = arith.constant 8 : i32
        "tpu.region"() ({
          %run_scoped3A = tpu.sem_alloc : memref<!tpu.dma_semaphore, #tpu.memory_space<semaphore_mem>>
          %dma_start3A_80 = arith.constant 0 : i32
          %dma_start3A_81 = arith.constant 0 : i32
          %dma_start3A_82 = tpu.memref_slice %arg16[%dma_start3A_80, %dma_start3A_81] : memref<5008x136xf32, #tpu.memory_space<vmem_shared>> -> memref<5008x136xf32, #tpu.memory_space<vmem_shared>>
          tpu.enqueue_indirect_dma source(%arg14 : memref<128x136xf32, #tpu.memory_space<vmem>>) target(%dma_start3A_82 : memref<5008x136xf32, #tpu.memory_space<vmem_shared>>) offsets(%arg11 : memref<128xi32, #tpu.memory_space<vmem>>) semaphore(%run_scoped3A : memref<!tpu.dma_semaphore, #tpu.memory_space<semaphore_mem>>) {add = true}
          %dma_wait3A_83 = arith.constant 0 : i32
          %dma_wait3A_84 = arith.constant 0 : i32
          %dma_wait3A_85 = tpu.memref_slice %arg16[%dma_wait3A_83, %dma_wait3A_84] : memref<5008x136xf32, #tpu.memory_space<vmem_shared>> -> memref<5008x136xf32, #tpu.memory_space<vmem_shared>>
          tpu.wait_indirect_dma semaphore(%run_scoped3A : memref<!tpu.dma_semaphore, #tpu.memory_space<semaphore_mem>>) src(%arg14 : memref<128x136xf32, #tpu.memory_space<vmem>>) dst(%dma_wait3A_85 : memref<5008x136xf32, #tpu.memory_space<vmem_shared>>)
          tpu.yield
        }) : () -> ()
      } else {
      }
      %scan3A_66 = arith.constant 0 : i32
      scf.yield %scan3A_66 : i32
    }
    %scan3A_42 = arith.constant 157 : i32
    %barrier3A_43 = arith.constant 0 : index
    tpu.barrier barrier_id(%barrier3A_43)
    %scan3A_44 = arith.constant 0 : i32
    %scan3A_45 = arith.constant 0 : i32
    %scan3A_46 = arith.constant 3 : i32
    %scan3A_47 = arith.addi %scan3A_45, %scan3A_46 : i32
    %scan3A_48 = arith.constant 1 : i32
    %scan3A_49 = scf.for %scan3A_56 = %scan3A_45 to %scan3A_47 step %scan3A_48 iter_args(%scan3A_57 = %scan3A_44) -> (i32)  : i32 {
      %mul3A_58 = arith.constant 16 : i32
      %mul3A_59 = arith.muli %scan3A_56, %mul3A_58 : i32
      %add3A_60 = arith.addi %arg1, %mul3A_59 : i32
      %lt3A_61 = arith.constant 39 : i32
      %lt3A_62 = arith.cmpi slt, %add3A_60, %lt3A_61 : i32
      %convert_element_type3A_63 = arith.extui %lt3A_62 : i1 to i32
      %cond3A_64 = arith.constant 0 : i32
      %cond3A_65 = arith.cmpi ne, %convert_element_type3A_63, %cond3A_64 : i32
      scf.if %cond3A_65 {
        %mul3A_67 = arith.constant 128 : i32
        %mul3A_68 = arith.muli %add3A_60, %mul3A_67 : i32
        %mul3A_69 = arith.constant 128 : i32
        %mul3A_70 = arith.muli %add3A_60, %mul3A_69 : i32
        "tpu.region"() ({
          %run_scoped3A = tpu.sem_alloc : memref<!tpu.dma_semaphore, #tpu.memory_space<semaphore_mem>>
          %dma_start3A = arith.constant 0 : i32
          %dma_start3A_71 = tpu.memref_slice %arg7[%arg0, %mul3A_70, %dma_start3A] : memref<2x5000x136xf32, #tpu.memory_space<hbm>> -> memref<1x128x136xf32, #tpu.memory_space<hbm>>
          %dma_start3A_72 = tpu.memref_squeeze %dma_start3A_71 : memref<1x128x136xf32, #tpu.memory_space<hbm>> -> memref<128x136xf32, #tpu.memory_space<hbm>>
          %dma_start3A_73 = arith.constant 0 : i32
          %dma_start3A_74 = tpu.memref_slice %arg16[%mul3A_68, %dma_start3A_73] : memref<5008x136xf32, #tpu.memory_space<vmem_shared>> -> memref<128x136xf32, #tpu.memory_space<vmem_shared>>
          tpu.enqueue_dma source(%dma_start3A_74 : memref<128x136xf32, #tpu.memory_space<vmem_shared>>) target(%dma_start3A_72 : memref<128x136xf32, #tpu.memory_space<hbm>>) target_semaphore(%run_scoped3A : memref<!tpu.dma_semaphore, #tpu.memory_space<semaphore_mem>>)
          %dma_wait3A = arith.constant 0 : i32
          %dma_wait3A_75 = tpu.memref_slice %arg7[%arg0, %mul3A_70, %dma_wait3A] : memref<2x5000x136xf32, #tpu.memory_space<hbm>> -> memref<1x128x136xf32, #tpu.memory_space<hbm>>
          %dma_wait3A_76 = tpu.memref_squeeze %dma_wait3A_75 : memref<1x128x136xf32, #tpu.memory_space<hbm>> -> memref<128x136xf32, #tpu.memory_space<hbm>>
          %dma_wait3A_77 = arith.constant 0 : i32
          %dma_wait3A_78 = tpu.memref_slice %arg16[%mul3A_68, %dma_wait3A_77] : memref<5008x136xf32, #tpu.memory_space<vmem_shared>> -> memref<128x136xf32, #tpu.memory_space<vmem_shared>>
          tpu.wait_dma2 semaphore(%run_scoped3A : memref<!tpu.dma_semaphore, #tpu.memory_space<semaphore_mem>>) src(%dma_wait3A_78 : memref<128x136xf32, #tpu.memory_space<vmem_shared>>) dst(%dma_wait3A_76 : memref<128x136xf32, #tpu.memory_space<hbm>>)
          tpu.yield
        }) : () -> ()
      } else {
      }
      %scan3A_66 = arith.constant 0 : i32
      scf.yield %scan3A_66 : i32
    }
    %scan3A_50 = arith.constant 3 : i32
    %eq3A_51 = arith.constant 15 : i32
    %eq3A_52 = arith.cmpi eq, %arg1, %eq3A_51 : i32
    %convert_element_type3A_53 = arith.extui %eq3A_52 : i1 to i32
    %cond3A_54 = arith.constant 0 : i32
    %cond3A_55 = arith.cmpi ne, %convert_element_type3A_53, %cond3A_54 : i32
    scf.if %cond3A_55 {
      "tpu.region"() ({
        %run_scoped3A = tpu.sem_alloc : memref<!tpu.dma_semaphore, #tpu.memory_space<semaphore_mem>>
        %dma_start3A = arith.constant 4992 : i32
        %dma_start3A_56 = arith.constant 0 : i32
        %dma_start3A_57 = tpu.memref_slice %arg7[%arg0, %dma_start3A, %dma_start3A_56] : memref<2x5000x136xf32, #tpu.memory_space<hbm>> -> memref<1x8x136xf32, #tpu.memory_space<hbm>>
        %dma_start3A_58 = tpu.memref_squeeze %dma_start3A_57 : memref<1x8x136xf32, #tpu.memory_space<hbm>> -> memref<8x136xf32, #tpu.memory_space<hbm>>
        %dma_start3A_59 = arith.constant 4992 : i32
        %dma_start3A_60 = arith.constant 0 : i32
        %dma_start3A_61 = tpu.memref_slice %arg16[%dma_start3A_59, %dma_start3A_60] : memref<5008x136xf32, #tpu.memory_space<vmem_shared>> -> memref<8x136xf32, #tpu.memory_space<vmem_shared>>
        tpu.enqueue_dma source(%dma_start3A_61 : memref<8x136xf32, #tpu.memory_space<vmem_shared>>) target(%dma_start3A_58 : memref<8x136xf32, #tpu.memory_space<hbm>>) target_semaphore(%run_scoped3A : memref<!tpu.dma_semaphore, #tpu.memory_space<semaphore_mem>>)
        %dma_wait3A = arith.constant 4992 : i32
        %dma_wait3A_62 = arith.constant 0 : i32
        %dma_wait3A_63 = tpu.memref_slice %arg7[%arg0, %dma_wait3A, %dma_wait3A_62] : memref<2x5000x136xf32, #tpu.memory_space<hbm>> -> memref<1x8x136xf32, #tpu.memory_space<hbm>>
        %dma_wait3A_64 = tpu.memref_squeeze %dma_wait3A_63 : memref<1x8x136xf32, #tpu.memory_space<hbm>> -> memref<8x136xf32, #tpu.memory_space<hbm>>
        %dma_wait3A_65 = arith.constant 4992 : i32
        %dma_wait3A_66 = arith.constant 0 : i32
        %dma_wait3A_67 = tpu.memref_slice %arg16[%dma_wait3A_65, %dma_wait3A_66] : memref<5008x136xf32, #tpu.memory_space<vmem_shared>> -> memref<8x136xf32, #tpu.memory_space<vmem_shared>>
        tpu.wait_dma2 semaphore(%run_scoped3A : memref<!tpu.dma_semaphore, #tpu.memory_space<semaphore_mem>>) src(%dma_wait3A_67 : memref<8x136xf32, #tpu.memory_space<vmem_shared>>) dst(%dma_wait3A_64 : memref<8x136xf32, #tpu.memory_space<hbm>>)
        tpu.yield
      }) : () -> ()
    } else {
    }
    return
  }
}

module attributes {stable_mosaic.version = 14 : i64} {
  func.func @_stage1_body(%arg0: memref<10000x128xf32, #tpu.memory_space<vmem>>, %arg1: memref<128x128xf32, #tpu.memory_space<vmem>>, %arg2: memref<128x128xf32, #tpu.memory_space<vmem>>, %arg3: memref<10000x128xf32, #tpu.memory_space<vmem>>, %arg4: memref<10000x128xf32, #tpu.memory_space<vmem>>, %arg5: memref<10000x128xf32, #tpu.memory_space<vmem>>) attributes {dimension_semantics = [], scalar_prefetch = 0 : i64, scratch_operands = 0 : i64, tpu.core_type = #tpu.core_type<tc>} {
    %get3A = arith.constant 0 : index
    %get3A_0 = arith.constant 0 : index
    %get3A_1 = vector.load %arg0[%get3A, %get3A_0] : memref<10000x128xf32, #tpu.memory_space<vmem>>, vector<10000x128xf32>
    %mul3A = arith.mulf %get3A_1, %get3A_1 : vector<10000x128xf32>
    %reduce_sum3A = arith.constant dense<0.000000e+00> : vector<10000xf32>
    %reduce_sum3A_2 = vector.multi_reduction <add>, %mul3A, %reduce_sum3A [1] : vector<10000x128xf32> to vector<10000xf32>
    %broadcast_in_dim3A = vector.shape_cast %reduce_sum3A_2 : vector<10000xf32> to vector<10000x1xf32>
    %add3A = arith.constant 1.000000e-15 : f32
    %add3A_3 = vector.broadcast %add3A : f32 to vector<10000x1xf32>
    %add3A_4 = arith.addf %broadcast_in_dim3A, %add3A_3 : vector<10000x1xf32>
    %sqrt3A = math.sqrt %add3A_4 : vector<10000x1xf32>
    %mul3A_5 = arith.constant 1.000000e-01 : f32
    %mul3A_6 = vector.broadcast %mul3A_5 : f32 to vector<10000x1xf32>
    %mul3A_7 = arith.mulf %mul3A_6, %sqrt3A : vector<10000x1xf32>
    %jit3A = arith.constant 0.000000e+00 : f32
    %jit3A_8 = arith.constant 0.999989986 : f32
    %max3A = vector.broadcast %jit3A : f32 to vector<10000x1xf32>
    %max3A_9 = arith.maximumf %max3A, %mul3A_7 : vector<10000x1xf32>
    %min3A = vector.broadcast %jit3A_8 : f32 to vector<10000x1xf32>
    %min3A_10 = arith.minimumf %min3A, %max3A_9 : vector<10000x1xf32>
    %add3A_11 = arith.constant 1.000000e+00 : f32
    %add3A_12 = vector.broadcast %add3A_11 : f32 to vector<10000x1xf32>
    %add3A_13 = arith.addf %add3A_12, %min3A_10 : vector<10000x1xf32>
    %sub3A = arith.constant 1.000000e+00 : f32
    %sub3A_14 = vector.broadcast %sub3A : f32 to vector<10000x1xf32>
    %sub3A_15 = arith.subf %sub3A_14, %min3A_10 : vector<10000x1xf32>
    %div3A = arith.divf %add3A_13, %sub3A_15 : vector<10000x1xf32>
    %log3A = math.log %div3A : vector<10000x1xf32>
    %mul3A_16 = arith.constant 5.000000e-01 : f32
    %mul3A_17 = vector.broadcast %mul3A_16 : f32 to vector<10000x1xf32>
    %mul3A_18 = arith.mulf %mul3A_17, %log3A : vector<10000x1xf32>
    %mul3A_19 = vector.broadcast %mul3A_18 : vector<10000x1xf32> to vector<10000x128xf32>
    %mul3A_20 = arith.mulf %mul3A_19, %get3A_1 : vector<10000x128xf32>
    %mul3A_21 = arith.constant 1.000000e-01 : f32
    %mul3A_22 = vector.broadcast %mul3A_21 : f32 to vector<10000x1xf32>
    %mul3A_23 = arith.mulf %mul3A_22, %sqrt3A : vector<10000x1xf32>
    %div3A_24 = vector.broadcast %mul3A_23 : vector<10000x1xf32> to vector<10000x128xf32>
    %div3A_25 = arith.divf %mul3A_20, %div3A_24 : vector<10000x128xf32>
    %swap3A = arith.constant 0 : index
    %swap3A_26 = arith.constant 0 : index
    %swap3A_27 = vector.load %arg3[%swap3A, %swap3A_26] : memref<10000x128xf32, #tpu.memory_space<vmem>>, vector<10000x128xf32>
    tpu.vector_store %arg3[%swap3A, %swap3A_26], %div3A_25 {strides = array<i32>} : memref<10000x128xf32, #tpu.memory_space<vmem>>, vector<10000x128xf32>,
    %get3A_28 = arith.constant 0 : index
    %get3A_29 = arith.constant 0 : index
    %get3A_30 = vector.load %arg1[%get3A_28, %get3A_29] : memref<128x128xf32, #tpu.memory_space<vmem>>, vector<128x128xf32>
    %dot_general3A = arith.constant dense<0.000000e+00> : vector<10000x128xf32>
    %dot_general3A_31 = tpu.matmul %div3A_25, %get3A_30, %dot_general3A {dimension_numbers = #tpu.dot_dimension_numbers<[1], [0], [0], [1], [0, 0, 1, 1], [], []>, transpose_lhs_hint = false} : vector<10000x128xf32>, vector<128x128xf32>, vector<10000x128xf32> -> vector<10000x128xf32>
    %swap3A_32 = arith.constant 0 : index
    %swap3A_33 = arith.constant 0 : index
    %swap3A_34 = vector.load %arg4[%swap3A_32, %swap3A_33] : memref<10000x128xf32, #tpu.memory_space<vmem>>, vector<10000x128xf32>
    tpu.vector_store %arg4[%swap3A_32, %swap3A_33], %dot_general3A_31 {strides = array<i32>} : memref<10000x128xf32, #tpu.memory_space<vmem>>, vector<10000x128xf32>,
    %get3A_35 = arith.constant 0 : index
    %get3A_36 = arith.constant 0 : index
    %get3A_37 = vector.load %arg2[%get3A_35, %get3A_36] : memref<128x128xf32, #tpu.memory_space<vmem>>, vector<128x128xf32>
    %dot_general3A_38 = arith.constant dense<0.000000e+00> : vector<10000x128xf32>
    %dot_general3A_39 = tpu.matmul %div3A_25, %get3A_37, %dot_general3A_38 {dimension_numbers = #tpu.dot_dimension_numbers<[1], [0], [0], [1], [0, 0, 1, 1], [], []>, transpose_lhs_hint = false} : vector<10000x128xf32>, vector<128x128xf32>, vector<10000x128xf32> -> vector<10000x128xf32>
    %swap3A_40 = arith.constant 0 : index
    %swap3A_41 = arith.constant 0 : index
    %swap3A_42 = vector.load %arg5[%swap3A_40, %swap3A_41] : memref<10000x128xf32, #tpu.memory_space<vmem>>, vector<10000x128xf32>
    tpu.vector_store %arg5[%swap3A_40, %swap3A_41], %dot_general3A_39 {strides = array<i32>} : memref<10000x128xf32, #tpu.memory_space<vmem>>, vector<10000x128xf32>,
    return
  }
}

module attributes {stable_mosaic.version = 14 : i64} {
  func.func @_stage3_body(%arg0: memref<10000x128xf32, #tpu.memory_space<vmem>>, %arg1: memref<10000x8xf32, #tpu.memory_space<vmem>>, %arg2: memref<10000x128xf32, #tpu.memory_space<vmem>>, %arg3: memref<10000x128xf32, #tpu.memory_space<vmem>>, %arg4: memref<10000x128xf32, #tpu.memory_space<vmem>>) attributes {dimension_semantics = [], scalar_prefetch = 0 : i64, scratch_operands = 0 : i64, tpu.core_type = #tpu.core_type<tc>} {
    %get3A = arith.constant 0 : index
    %get3A_0 = arith.constant 0 : index
    %get3A_1 = vector.load %arg0[%get3A, %get3A_0] : memref<10000x128xf32, #tpu.memory_space<vmem>>, vector<10000x128xf32>
    %get3A_2 = arith.constant 0 : index
    %get3A_3 = arith.constant 0 : index
    %get3A_4 = vector.load %arg1[%get3A_2, %get3A_3] : memref<10000x8xf32, #tpu.memory_space<vmem>>, vector<10000x8xf32>
    %slice3A = vector.extract_strided_slice %get3A_4 {offsets = [0, 0], sizes = [10000, 1], strides = [1, 1]} : vector<10000x8xf32> to vector<10000x1xf32>
    %slice3A_5 = vector.extract_strided_slice %get3A_4 {offsets = [0, 1], sizes = [10000, 1], strides = [1, 1]} : vector<10000x8xf32> to vector<10000x1xf32>
    %add3A = arith.constant 9.99999997E-7 : f32
    %add3A_6 = vector.broadcast %add3A : f32 to vector<10000x1xf32>
    %add3A_7 = arith.addf %slice3A_5, %add3A_6 : vector<10000x1xf32>
    %div3A = arith.constant 1.000000e+00 : f32
    %div3A_8 = vector.broadcast %div3A : f32 to vector<10000x1xf32>
    %div3A_9 = arith.divf %div3A_8, %add3A_7 : vector<10000x1xf32>
    %mul3A = vector.broadcast %div3A_9 : vector<10000x1xf32> to vector<10000x128xf32>
    %mul3A_10 = arith.mulf %get3A_1, %mul3A : vector<10000x128xf32>
    %mul3A_11 = arith.mulf %slice3A, %div3A_9 : vector<10000x1xf32>
    %mul3A_12 = arith.mulf %mul3A_11, %mul3A_11 : vector<10000x1xf32>
    %neg3A = arith.constant 0.000000e+00 : f32
    %neg3A_13 = vector.broadcast %neg3A : f32 to vector<10000x1xf32>
    %neg3A_14 = arith.subf %neg3A_13, %mul3A_12 : vector<10000x1xf32>
    %mul3A_15 = arith.mulf %mul3A_10, %mul3A_10 : vector<10000x128xf32>
    %reduce_sum3A = arith.constant dense<0.000000e+00> : vector<10000xf32>
    %reduce_sum3A_16 = vector.multi_reduction <add>, %mul3A_15, %reduce_sum3A [1] : vector<10000x128xf32> to vector<10000xf32>
    %broadcast_in_dim3A = vector.shape_cast %reduce_sum3A_16 : vector<10000xf32> to vector<10000x1xf32>
    %add3A_17 = arith.addf %neg3A_14, %broadcast_in_dim3A : vector<10000x1xf32>
    %neg3A_18 = arith.constant 0.000000e+00 : f32
    %neg3A_19 = vector.broadcast %neg3A_18 : f32 to vector<10000x1xf32>
    %neg3A_20 = arith.subf %neg3A_19, %add3A_17 : vector<10000x1xf32>
    %max3A = arith.constant 1.000000e-10 : f32
    %max3A_21 = vector.broadcast %max3A : f32 to vector<10000x1xf32>
    %max3A_22 = arith.maximumf %neg3A_20, %max3A_21 : vector<10000x1xf32>
    %sqrt3A = math.sqrt %max3A_22 : vector<10000x1xf32>
    %mul3A_23 = arith.constant 1.000000e-01 : f32
    %mul3A_24 = vector.broadcast %mul3A_23 : f32 to vector<10000x1xf32>
    %mul3A_25 = arith.mulf %mul3A_24, %sqrt3A : vector<10000x1xf32>
    %div3A_26 = arith.divf %mul3A_11, %mul3A_25 : vector<10000x1xf32>
    %div3A_27 = vector.broadcast %mul3A_25 : vector<10000x1xf32> to vector<10000x128xf32>
    %div3A_28 = arith.divf %mul3A_10, %div3A_27 : vector<10000x128xf32>
    %mul3A_29 = arith.constant 1.000000e-01 : f32
    %mul3A_30 = vector.broadcast %mul3A_29 : f32 to vector<10000x1xf32>
    %mul3A_31 = arith.mulf %mul3A_30, %div3A_26 : vector<10000x1xf32>
    %add3A_32 = arith.constant 1.000000e+00 : f32
    %add3A_33 = vector.broadcast %add3A_32 : f32 to vector<10000x1xf32>
    %add3A_34 = arith.addf %add3A_33, %mul3A_31 : vector<10000x1xf32>
    %add3A_35 = arith.constant 1.000000e-15 : f32
    %add3A_36 = vector.broadcast %add3A_35 : f32 to vector<10000x1xf32>
    %add3A_37 = arith.addf %add3A_34, %add3A_36 : vector<10000x1xf32>
    %div3A_38 = vector.broadcast %add3A_37 : vector<10000x1xf32> to vector<10000x128xf32>
    %div3A_39 = arith.divf %div3A_28, %div3A_38 : vector<10000x128xf32>
    %mul3A_40 = arith.mulf %div3A_39, %div3A_39 : vector<10000x128xf32>
    %reduce_sum3A_41 = arith.constant dense<0.000000e+00> : vector<10000xf32>
    %reduce_sum3A_42 = vector.multi_reduction <add>, %mul3A_40, %reduce_sum3A_41 [1] : vector<10000x128xf32> to vector<10000xf32>
    %broadcast_in_dim3A_43 = vector.shape_cast %reduce_sum3A_42 : vector<10000xf32> to vector<10000x1xf32>
    %add3A_44 = arith.constant 1.000000e-15 : f32
    %add3A_45 = vector.broadcast %add3A_44 : f32 to vector<10000x1xf32>
    %add3A_46 = arith.addf %broadcast_in_dim3A_43, %add3A_45 : vector<10000x1xf32>
    %sqrt3A_47 = math.sqrt %add3A_46 : vector<10000x1xf32>
    %mul3A_48 = arith.constant 1.000000e-01 : f32
    %mul3A_49 = vector.broadcast %mul3A_48 : f32 to vector<10000x1xf32>
    %mul3A_50 = arith.mulf %mul3A_49, %sqrt3A_47 : vector<10000x1xf32>
    %jit3A = arith.constant 0.000000e+00 : f32
    %jit3A_51 = arith.constant 0.999989986 : f32
    %max3A_52 = vector.broadcast %jit3A : f32 to vector<10000x1xf32>
    %max3A_53 = arith.maximumf %max3A_52, %mul3A_50 : vector<10000x1xf32>
    %min3A = vector.broadcast %jit3A_51 : f32 to vector<10000x1xf32>
    %min3A_54 = arith.minimumf %min3A, %max3A_53 : vector<10000x1xf32>
    %add3A_55 = arith.constant 1.000000e+00 : f32
    %add3A_56 = vector.broadcast %add3A_55 : f32 to vector<10000x1xf32>
    %add3A_57 = arith.addf %add3A_56, %min3A_54 : vector<10000x1xf32>
    %sub3A = arith.constant 1.000000e+00 : f32
    %sub3A_58 = vector.broadcast %sub3A : f32 to vector<10000x1xf32>
    %sub3A_59 = arith.subf %sub3A_58, %min3A_54 : vector<10000x1xf32>
    %div3A_60 = arith.divf %add3A_57, %sub3A_59 : vector<10000x1xf32>
    %log3A = math.log %div3A_60 : vector<10000x1xf32>
    %mul3A_61 = arith.constant 5.000000e-01 : f32
    %mul3A_62 = vector.broadcast %mul3A_61 : f32 to vector<10000x1xf32>
    %mul3A_63 = arith.mulf %mul3A_62, %log3A : vector<10000x1xf32>
    %mul3A_64 = vector.broadcast %mul3A_63 : vector<10000x1xf32> to vector<10000x128xf32>
    %mul3A_65 = arith.mulf %mul3A_64, %div3A_39 : vector<10000x128xf32>
    %mul3A_66 = arith.constant 1.000000e-01 : f32
    %mul3A_67 = vector.broadcast %mul3A_66 : f32 to vector<10000x1xf32>
    %mul3A_68 = arith.mulf %mul3A_67, %sqrt3A_47 : vector<10000x1xf32>
    %div3A_69 = vector.broadcast %mul3A_68 : vector<10000x1xf32> to vector<10000x128xf32>
    %div3A_70 = arith.divf %mul3A_65, %div3A_69 : vector<10000x128xf32>
    %jit3A_71 = arith.constant -1.000000e+01 : f32
    %jit3A_72 = arith.constant 1.000000e+01 : f32
    %max3A_73 = vector.broadcast %jit3A_71 : f32 to vector<10000x128xf32>
    %max3A_74 = arith.maximumf %max3A_73, %div3A_70 : vector<10000x128xf32>
    %min3A_75 = vector.broadcast %jit3A_72 : f32 to vector<10000x128xf32>
    %min3A_76 = arith.minimumf %min3A_75, %max3A_74 : vector<10000x128xf32>
    %gt3A = arith.constant 0.000000e+00 : f32
    %gt3A_77 = vector.broadcast %gt3A : f32 to vector<10000x1xf32>
    %gt3A_78 = arith.cmpf ogt, %slice3A_5, %gt3A_77 : vector<10000x1xf32>
    %get3A_79 = arith.constant 0 : index
    %get3A_80 = arith.constant 0 : index
    %get3A_81 = vector.load %arg2[%get3A_79, %get3A_80] : memref<10000x128xf32, #tpu.memory_space<vmem>>, vector<10000x128xf32>
    %get3A_82 = arith.constant 0 : index
    %get3A_83 = arith.constant 0 : index
    %get3A_84 = vector.load %arg3[%get3A_82, %get3A_83] : memref<10000x128xf32, #tpu.memory_space<vmem>>, vector<10000x128xf32>
    %broadcast_in_dim3A_85 = vector.shape_cast %gt3A_78 : vector<10000x1xi1> to vector<10000x1xi1>
    %broadcast_in_dim3A_86 = vector.broadcast %broadcast_in_dim3A_85 : vector<10000x1xi1> to vector<10000x128xi1>
    %select_n3A = arith.select %broadcast_in_dim3A_86, %get3A_81, %get3A_84 : vector<10000x128xi1>, vector<10000x128xf32>
    %add3A_87 = arith.addf %min3A_76, %select_n3A : vector<10000x128xf32>
    %jit3A_88 = arith.constant -1.000000e+01 : f32
    %jit3A_89 = arith.constant 1.000000e+01 : f32
    %max3A_90 = vector.broadcast %jit3A_88 : f32 to vector<10000x128xf32>
    %max3A_91 = arith.maximumf %max3A_90, %add3A_87 : vector<10000x128xf32>
    %min3A_92 = vector.broadcast %jit3A_89 : f32 to vector<10000x128xf32>
    %min3A_93 = arith.minimumf %min3A_92, %max3A_91 : vector<10000x128xf32>
    %mul3A_94 = arith.mulf %min3A_93, %min3A_93 : vector<10000x128xf32>
    %reduce_sum3A_95 = arith.constant dense<0.000000e+00> : vector<10000xf32>
    %reduce_sum3A_96 = vector.multi_reduction <add>, %mul3A_94, %reduce_sum3A_95 [1] : vector<10000x128xf32> to vector<10000xf32>
    %broadcast_in_dim3A_97 = vector.shape_cast %reduce_sum3A_96 : vector<10000xf32> to vector<10000x1xf32>
    %add3A_98 = arith.constant 1.000000e-15 : f32
    %add3A_99 = vector.broadcast %add3A_98 : f32 to vector<10000x1xf32>
    %add3A_100 = arith.addf %broadcast_in_dim3A_97, %add3A_99 : vector<10000x1xf32>
    %sqrt3A_101 = math.sqrt %add3A_100 : vector<10000x1xf32>
    %mul3A_102 = arith.constant 1.000000e-01 : f32
    %mul3A_103 = vector.broadcast %mul3A_102 : f32 to vector<10000x1xf32>
    %mul3A_104 = arith.mulf %mul3A_103, %sqrt3A_101 : vector<10000x1xf32>
    %tanh3A = math.tanh %mul3A_104 : vector<10000x1xf32>
    %mul3A_105 = vector.broadcast %tanh3A : vector<10000x1xf32> to vector<10000x128xf32>
    %mul3A_106 = arith.mulf %mul3A_105, %min3A_93 : vector<10000x128xf32>
    %mul3A_107 = arith.constant 1.000000e-01 : f32
    %mul3A_108 = vector.broadcast %mul3A_107 : f32 to vector<10000x1xf32>
    %mul3A_109 = arith.mulf %mul3A_108, %sqrt3A_101 : vector<10000x1xf32>
    %div3A_110 = vector.broadcast %mul3A_109 : vector<10000x1xf32> to vector<10000x128xf32>
    %div3A_111 = arith.divf %mul3A_106, %div3A_110 : vector<10000x128xf32>
    %swap3A = arith.constant 0 : index
    %swap3A_112 = arith.constant 0 : index
    %swap3A_113 = vector.load %arg4[%swap3A, %swap3A_112] : memref<10000x128xf32, #tpu.memory_space<vmem>>, vector<10000x128xf32>
    tpu.vector_store %arg4[%swap3A, %swap3A_112], %div3A_111 {strides = array<i32>} : memref<10000x128xf32, #tpu.memory_space<vmem>>, vector<10000x128xf32>,
    return
  }
}

</mosaic_0001>

<sc_bundles>
// kernel: kernel.5.cloned.1.call-start
scs
__scs_entry_jumppad:
0x0: {  	(pc) =	sbr.rel $0x88, $3  }
0x1: {  	(tag) =	ssettag $0x0;
	lr =	simm.s32 $0x1  }
0x2: {  	[smem:$0x3F9B] =	sst lr;
	_ =	strace $0xD0000000  }
0x3: {  	_ = 	snop  }
0x4: {  	_ = 	snop  }
0x5: {  	_ = 	snop  }
0x6: {  	_ = 	snop  }
0x7: {  	_ = 	snop  }
__scs_overlays_trampoline_lowered:
0x8: {  	[smem:$0x3FAA] =	sst s0  }
0x9: {  	[smem:$0x3FAB] =	sst s1  }
0xa: {  	[smem:$0x3FAC] =	sst s2  }
0xb: {  	[smem:$0x3FAD] =	sst s3  }
0xc: {  	[smem:$0x3FAE] =	sst s4  }
0xd: {  	[smem:$0x3FAF] =	sst s5  }
0xe: {  	[smem:$0x3FB0] =	sst s6  }
0xf: {  	[smem:$0x3FB1] =	sst s7  }
0x10: {  	[smem:$0x3FB2] =	sst s8  }
0x11: {  	[smem:$0x3FB3] =	sst s9;
	s0 =	simm.s32 @!p0 $0x0  }
0x12: {  	s1 =	sld [smem:$0x3F99];
	s0 =	simm.s32 @p0 $0x1  }
0x13: {  	[smem:$0x3FB4] =	sst s0;
	s0 =	simm.s32 @!p1 $0x0  }
0x14: {  	s2 =	sld [smem:$0x3F98];
	s0 =	simm.s32 @p1 $0x1  }
0x15: {  	[smem:$0x3FB5] =	sst s0;
	s0 =	simm.s32 @!p2 $0x0  }
0x16: {  	s3 =	sld [smem:$0x3FDB];
	s0 =	simm.s32 @p2 $0x1  }
0x17: {  	s4 =	simm.s32 $0x1BF5;
	[smem:$0x3FB7] =	sst s0  }
0x18: {  	s0 =	sld [smem:$0x3F9A];
	_ =	swait.ge [sflag:s4], $0x0  }
0x19: {  	s7 =	sld [smem:$0x3F9B]  }
0x1a: {  	s8 =	sadd.s32 $0xFFFFE003, lr  }
0x1b: {  	s9 =	sadd.s32 $0xFFFFFEF7, lr;
	s5 =	simm.s32 $0xFFFFFFFF;
	p2 =	slt.u32 s8, $0xFFFFF086  }
0x1c: {  	p1 =	slt.u32 s9, $0xF7A;
	s5 =	simm.s32 @!p2 $0x0  }
0x1d: {  	s5 =	simm.s32 @p1 $0x1;
	p0 =	seq.s32 s7, s2  }
0x1e: {  	s7 =	smul.u32 @!p0 $0xF7A, s2;
	p2 =	seq.s32 @!p0 s5, $0x0  }
0x1f: {  	s9 =	smul.u32 $0xF7A, s1;
	s8 =	simm.s32 @!p0 $0x1BF5;
	p2 =	por !p2, p0  }
0x20: {  	[sflag:s8] =	ssyncset.s32 @!p0 $0xFFFFF086;
	s6 =	sadd.s32 @!p0 s3, s7;
	s7 =	simm.s32 @!p0 $0x108  }
0x21: {  	s3 =	sadd.s32 s3, s9;
	s6 =	sadd.s32 @!p0 $0x88, s6;
	s7 =	simm.s32 @p2 $0x1082  }
0x22: {  	[simem:s7], [sflag:s8] =	dma.local @!p0 [hbm:s6], $0xF7A  }
0x23: {  	s9 =	sor.u32 $0xD0000000, s2;
	s6 =	simm.s32 $0x108;
	_ =	swait.ge @!p0 [sflag:s8], $0x0  }
0x24: {  	s3 =	sadd.s32 $0x88, s3;
	s6 =	simm.s32 @!p1 $0x1082;
	[sflag:s4] =	ssyncset.s32 $0xFFFFF086  }
0x25: {  	[simem:s6], [sflag:s4] =	dma.local [hbm:s3], $0xF7A  }
0x26: {  	[smem:$0x3F9B] =	sst s1;
	(tag) =	ssettag s2;
	_ =	strace s9  }
0x27: {  	s1 =	sld [smem:$0x3FAB]  }
0x28: {  	s2 =	sld [smem:$0x3FAC]  }
0x29: {  	s4 =	sld [smem:$0x3FAE]  }
0x2a: {  	p0 =	seq.s32 s5, $0x0;
	s5 =	sld [smem:$0x3FAF]  }
0x2b: {  	s6 =	sld [smem:$0x3FB0]  }
0x2c: {  	s7 =	sld [smem:$0x3FB1]  }
0x2d: {  	s3 =	simm.s32 $0x108;
	s8 =	sld [smem:$0x3FB2]  }
0x2e: {  	s3 =	simm.s32 @!p0 $0x1082;
	s9 =	sld [smem:$0x3FB3]  }
0x2f: {  	lr =	sadd.s32 s0, s3;
	s0 =	sld [smem:$0x3FAA]  }
0x30: {  	s3 =	sld [smem:$0x3FAD]  }
0x31: {  	[smem:$0x3FB6] =	sst s10  }
0x32: {  	s10 =	sld [smem:$0x3FB4];
	_ =	sdelay $0x3  }
0x33: {  	p0 =	seq.s32 s10, $0x1;
	s10 =	sld [smem:$0x3FB6];
	_ =	sdelay $0x3  }
0x34: {  	[smem:$0x3FB6] =	sst s10  }
0x35: {  	s10 =	sld [smem:$0x3FB5];
	_ =	sdelay $0x3  }
0x36: {  	p1 =	seq.s32 s10, $0x1;
	s10 =	sld [smem:$0x3FB6];
	_ =	sdelay $0x3  }
0x37: {  	[smem:$0x3FB6] =	sst s10  }
0x38: {  	s10 =	sld [smem:$0x3FB7]  }
0x39: {  	_ = 	snop;
	(pc) =	sbr.ind lr, $3  }
0x3a: {  	_ = 	snop  }
0x3b: {  	_ = 	snop  }
0x3c: {  	p2 =	seq.s32 s10, $0x1;
	s10 =	sld [smem:$0x3FB6]  }
0x3d: {  	_ =	shalt  }
0x3e: {  	_ =	shalt  }
0x3f: {  	_ =	shalt  }
0x40: {  	_ =	shalt  }
0x41: {  	_ =	shalt  }
0x42: {  	_ =	shalt  }
0x43: {  	_ =	shalt  }
0x44: {  	_ =	shalt  }
0x45: {  	_ =	shalt  }
0x46: {  	_ =	shalt  }
0x47: {  	_ =	shalt  }
0x48: {  	_ =	shalt  }
0x49: {  	_ =	shalt  }
0x4a: {  	_ =	shalt  }
0x4b: {  	_ =	shalt  }
0x4c: {  	_ =	shalt  }
0x4d: {  	_ =	shalt  }
0x4e: {  	_ =	shalt  }
0x4f: {  	_ =	shalt  }
0x50: {  	_ =	shalt  }
0x51: {  	_ =	shalt  }
0x52: {  	_ =	shalt  }
0x53: {  	_ =	shalt  }
0x54: {  	_ =	shalt  }
0x55: {  	_ =	shalt  }
0x56: {  	_ =	shalt  }
0x57: {  	_ =	shalt  }
0x58: {  	_ =	shalt  }
0x59: {  	_ =	shalt  }
0x5a: {  	_ =	shalt  }
0x5b: {  	_ =	shalt  }
0x5c: {  	_ =	shalt  }
0x5d: {  	_ =	shalt  }
0x5e: {  	_ =	shalt  }
0x5f: {  	_ =	shalt  }
0x60: {  	_ =	shalt  }
0x61: {  	_ =	shalt  }
0x62: {  	_ =	shalt  }
0x63: {  	_ =	shalt  }
0x64: {  	_ =	shalt  }
0x65: {  	_ =	shalt  }
0x66: {  	_ =	shalt  }
0x67: {  	_ =	shalt  }
0x68: {  	_ =	shalt  }
0x69: {  	_ =	shalt  }
0x6a: {  	_ =	shalt  }
0x6b: {  	_ =	shalt  }
0x6c: {  	_ =	shalt  }
0x6d: {  	_ =	shalt  }
0x6e: {  	_ =	shalt  }
0x6f: {  	_ =	shalt  }
0x70: {  	_ =	shalt  }
0x71: {  	_ =	shalt  }
0x72: {  	_ =	shalt  }
0x73: {  	_ =	shalt  }
0x74: {  	_ =	shalt  }
0x75: {  	_ =	shalt  }
0x76: {  	_ =	shalt  }
0x77: {  	_ =	shalt  }
0x78: {  	_ =	shalt  }
0x79: {  	_ =	shalt  }
0x7a: {  	_ =	shalt  }
0x7b: {  	_ =	shalt  }
0x7c: {  	_ =	shalt  }
0x7d: {  	_ =	shalt  }
0x7e: {  	_ =	shalt  }
0x7f: {  	_ =	shalt  }
0x80: {  	_ =	shalt  }
0x81: {  	_ =	shalt  }
0x82: {  	_ =	shalt  }
0x83: {  	_ =	shalt  }
0x84: {  	_ =	shalt  }
0x85: {  	_ =	shalt  }
0x86: {  	_ =	shalt  }
0x87: {  	_ =	shalt  }
.Lfunc_end0:
.L_simem_size_0:
called_computation_lowered:
.L_overlay_start_0:
0x88: {  	s2 =	sld [smem:$0x3FD9]  }
0x89: {  	s3 =	sld [smem:$0x3FFE];
	_ =	sdelay $0x1  }
0x8a: {  	s1 =	srdreg.scid  }
0x8b: {  	s0 =	sand.u32 $0x1, s1  }
0x8c: {  	s17 =	sshll.u32 s0, $0xA;
	s2 =	sadd.s32 s3, s2  }
0x8d: {  	s2 =	sadd.s32 s2, s17  }
0x8e: {  	[smem:$0x3FC2] =	sst s2  }
0x8f: {  	_ = 	snop  }
0x90: {  	s2 =	sld [smem:$0x3FC4]  }
0x91: {  	s18 =	sld [smem:$0x3FD0];
	(tm) =	ssettm $0x1  }
0x92: {  	s4 =	sld [smem:$0x3FFB];
	_ =	sdelay $0x3  }
0x93: {  	_ =	strace s4  }
0x94: {  	s4 =	sld [smem:$0x3FFC];
	_ =	sdelay $0x3  }
0x95: {  	_ =	strace s4  }
0x96: {  	s4 =	sld [smem:$0x3FFD];
	_ =	sdelay $0x3  }
0x97: {  	_ =	strace s4  }
0x98: {  	_ =	strace $0x8FFFFFFF  }
0x99: {  	s19 =	sld [smem:$0x3FDB];
	_ =	sdelay $0x1  }
0x9a: {  	s5 =	simm.s32 $_scs_section_size  }
0x9b: {  	s6 =	simm.s32 $_size__tile_overlayer_lowered;
	s7 =	simm.s32 $_tile_overlayer_lowered  }
0x9c: {  	s22 =	simm.s32 $0x1BFF;
	s21 =	sshll.u32 s7, $0x1;
	s4 =	sadd.s32 s5, s19  }
0x9d: {  	s8 =	simm.s32 $0x0;
	s20 =	sshll.u32 s6, $0x1;
	s6 =	sadd.s32 s21, s4  }
0x9e: {  	[timem:s8], [sflag:s22] =	dma.local [hbm:s6], s20  }
0x9f: {  	_ =	swait.ge [sflag:s22], s20  }
0xa0: {  	s5 =	ssub.s32 $0x0, s20;
	[sflag:s22] =	ssyncset.done $0x0  }
0xa1: {  	[sflag:s22] =	ssyncadd.s32 s5;
	_ =	sdelay $0x1  }
0xa2: {  	s23 =	simm.s32 $0x1B8B  }
0xa3: {  	_ =	swait.ge [sflag:s23], $0x1  }
0xa4: {  	[sflag:s23] =	ssyncset.done $0x0  }
0xa5: {  	s25 =	simm.s32 $0x1B8E;
	s24 =	sld [smem:$0x3FFE];
	[sflag:s23] =	ssyncadd.s32 $0xFFFFFFFF  }
0xa6: {  	s26 =	simm.s32 $execute0_lowered;
	[smem:$0x3FD2] =	sst s25  }
0xa7: {  	s6 =	sshll.u32 s26, $0x1;
	_ =	strace $0x80000046;
	[dreg:$0x1] =	wrdreg $0xFFFFFFFF  }
0xa8: {  	s28 =	simm.s32 $_size_execute0_lowered;
	s4 =	sadd.s32 s4, s6;
	[dreg:$0x0] =	wrdreg $0x0  }
0xa9: {  	s6 =	sshll.u32 s28, $0x1;
	[dreg:$0x2] =	wrdreg s4  }
0xaa: {  	[dreg:$0x3] =	wrdreg s6  }
0xab: {  	[dreg:$0x4] =	wrdreg $0xC0  }
0xac: {  	_ =	task [dreg:s8], $0x5FFFF  }
0xad: {  	[dreg:$0x1] =	wrdreg $0xFFFFFFFF  }
0xae: {  	[dreg:$0x0] =	wrdreg $0x60  }
0xaf: {  	[dreg:$0x2] =	wrdreg s18  }
0xb0: {  	[dreg:$0x3] =	wrdreg s24  }
0xb1: {  	[dreg:$0x4] =	wrdreg s2  }
0xb2: {  	[dreg:$0x5] =	wrdreg $0x156000  }
0xb3: {  	[dreg:$0x6] =	wrdreg $0x9  }
0xb4: {  	_ =	task.clear_ibuf [dreg:s8], $0x7FFFF;
	_ =	strace $0x90000046  }
0xb5: {  	s29 =	simm.s32 $0x9;
	_ =	strace $0x80000048  }
0xb6: {  	_ =	swait.ge [sflag:s29], $0x1  }
0xb7: {  	[sflag:s29] =	ssyncadd.s32 $0xFFFFFFFF  }
0xb8: {  	_ =	strace $0x90000048  }
0xb9: {  	_ =	sfence  }
0xba: {  	s30 =	sld [smem:$0x0];
	_ =	sdelay $0x2  }
0xbb: {  	s31 =	sshll.u32 s1, $0xD;
	s1 =	sshrl.u32 s1, $0x2  }
0xbc: {  	s3 =	sand.u32 $0x4000, s31;
	s1 =	sadd.s32 s1, s30  }
0xbd: {  	s0 =	sor.u32 s3, s0;
	s1 =	sshll.u32 s1, $0x11  }
0xbe: {  	s0 =	sor.u32 s1, s0  }
0xbf: {  	s0 =	sadd.s32 $0x8F2B, s0  }
0xc0: {  	[sflag:s0] =	ssyncadd.remote.s32 $0x1  }
0xc1: {  	_ =	sfence.sel $0xFFFF  }
0xc2: {  	[dreg:$0x0] =	wrdreg $0xFFFFFFFF;
	(pc) =	sbr.abs _section_cstart, $3  }
0xc3: {  	[dreg:$0x1] =	wrdreg $0xFFFFFFFF  }
0xc4: {  	_ =	task.clear_ibuf [dreg:s8], $0x2FFFF;
	_ =	strace $0x9FFFFFFF  }
0xc5: {  	(tm) =	ssettm $0x7FFFFFFF  }
tec
execute0_lowered:
.L_overlay_start_1:
0x0: {  	(tag) =	ssettag $0x1  }
0x1: {  	s1 =	rddreg [dreg:$0x0]  }
0x2: {  	s0 =	rddreg [dreg:$0x1]  }
0x3: {  	s2 =	rddreg [dreg:$0x2]  }
0x4: {  	s3 =	rddreg [dreg:$0x3];
	s4 =	simm.s32 $0x0  }
0x5: {  	s5 =	srdreg.scid;
	s8 =	stileid.u32;
	s28 =	simm.s32 $0x80  }
0x6: {  	s29 =	simm.s32 $0xCA00;
	s30 =	simm.s32 $0x1;
	s12 =	smul.u32 $0x11000, s8  }
0x7: {  	s31 =	simm.s32 $0xC900;
	s5 =	sand.u32 $0x1, s5;
	s17 =	smul.u32 $0x4400, s8  }
0x8: {  	[smem:$0x7FF] =	sst s4;
	s6 =	sadd.s32 $0xA00, s0;
	s11 =	smul.u32 $0xA6040, s5  }
0x9: {  	s13 =	sor.u32 $0x10, s8;
	s9 =	ssub.s32 $0x2, s5;
	s5 =	smul.u32 $0xFFFFEC78, s5  }
0xa: {  	s7 =	sadd.s32 $0x2400, s0;
	s16 =	sor.u32 $0x20, s8;
	s15 =	smul.u32 $0x11000, s13  }
0xb: {  	_ =	strace $0x80000047;
	[dreg:$0x5] =	wrdreg s6;
	s26 =	smul.u32 $0x11000, s16  }
0xc: {  	s6 =	sadd.s32 $0xC200, s0;
	s0 =	sadd.s32 $0x3D200, s0;
	s13 =	smul.u32 $0x4400, s13  }
0xd: {  	s18 =	smul.u32 $0x4400, s16;
	p0 =	sgt.u32 s16, $0x26;
	s10 =	sshrl.u32 s9, $0x1  }
0xe: {  	s12 =	sshrl.u32 s12, $0x2;
	p1 =	sne.s32 @p0 s8, $0xF;
	s10 =	ssub.s32 s9, s10  }
0xf: {  	s25 =	sshrl.u32 s11, $0x3;
	s9 =	sadd.s32 $0xA5C00, s3;
	s19 =	sshrl.u32 s15, $0x2  }
0x10: {  	s20 =	sshrl.u32 s26, $0x2;
	s21 =	sadd.s32 s11, s17;
	s22 =	sadd.s32 s11, s13  }
0x11: {  	s26 =	sadd.s32 s13, s3;
	s14 =	sadd.s32 s0, s25;
	s10 =	smax.u32 s10, $0x1  }
0x12: {  	p1 =	por p1, !p0;
	s14 =	sadd.s32 $0x14B80, s14;
	[dreg:$0x7] =	wrdreg s10  }
0x13: {  	s24 =	sshrl.u32 s22, $0x3;
	s10 =	sadd.s32 s12, s3;
	[dreg:$0x6] =	wrdreg s14  }
0x14: {  	s25 =	sadd.s32 s11, s18;
	s12 =	sadd.s32 s17, s3;
	[dreg:$0x8] =	wrdreg s10  }
0x15: {  	s10 =	sadd.s32 s19, s3;
	s14 =	sshrl.u32 s21, $0x3;
	s19 =	simm.s32 $0x10A00  }
0x16: {  	s21 =	simm.s32 $0x3;
	[dreg:$0x9] =	wrdreg s10;
	s10 =	sadd.s32 s20, s3  }
0x17: {  	s22 =	sshrl.u32 s12, $0x3;
	s23 =	sadd.s32 s0, s14;
	[dreg:$0xa] =	wrdreg s10  }
.Ltmp0:
0x18: {  	[dreg:$0xb] =	wrdreg s23;
	s10 =	sadd.s32 s0, s24;
	(pc) =	sbr.rel .LBB2_1-.Ltmp0, $4  }
0x19: {  	s20 =	simm.s32 $0xC800;
	[dreg:$0xc] =	wrdreg s10;
	s10 =	sshrl.u32 s25, $0x3  }
0x1a: {  	s23 =	sshrl.u32 s26, $0x3;
	s26 =	simm.s32 $0xC980;
	s0 =	sadd.s32 s0, s10  }
0x1b: {  	v0 =	vimm.f32 $0.0e+00;
	v1 =	vlaneseq.u32;
	vm0 =	vcmask $0x704;
	s25 =	simm.s32 $0xC880;
	[dreg:$0xd] =	wrdreg s0;
	s0 =	sadd.s32 s18, s3  }
0x1c: {  	v3 =	vand.u32 $0x7, v1;
	v4 =	vsel vm0, $0x3F800000, v0;
	v2 =	vmov s5;
	s18 =	simm.s32 $0x2;
	s24 =	sshrl.u32 @!p0 s0, $0x3;
	s0 =	simm.s32 $0x0  }
.LBB2_15:
0x1d: {  	s5 =	sshll.u32 s8, $0x6;
	[bflag:$0x0] =	sbarrier.arrive $0xFFFF  }
0x1e: {  	s5 =	sor.u32 $0x1C02, s5;
	s10 =	rddreg [dreg:$0xb]  }
0x1f: {  	[hbm:s10], [sflag:s5] =	dma.local [spmem:s22], $0x880  }
0x20: {  	_ =	swait.ge [sflag:s18], $0x880  }
0x21: {  	[sflag:s18] =	ssyncset.done $0x0  }
0x22: {  	s16 =	rddreg [dreg:$0xc];
	[sflag:s18] =	ssyncadd.s32 $0xFFFFF780  }
0x23: {  	[hbm:s16], [sflag:s5] =	dma.local [spmem:s23], $0x880  }
0x24: {  	_ =	swait.ge [sflag:s18], $0x880  }
0x25: {  	s11 =	simm.s32 @!p1 $0x1FC2;
	[sflag:s18] =	ssyncset.done $0x0  }
0x26: {  	s10 =	sshrl.u32 @!p1 s9, $0x3;
	s12 =	rddreg [dreg:$0x6];
	[sflag:s18] =	ssyncadd.s32 $0xFFFFF780  }
0x27: {  	[hbm:s12], [sflag:s11] =	dma.local @!p1 [spmem:s10], $0x88  }
0x28: {  	s10 =	simm.s32 @!p1 $0x2  }
0x29: {  	_ =	swait.ge @!p1 [sflag:s10], $0x88  }
0x2a: {  	[sflag:s10] =	ssyncset.done @!p1 $0x0  }
0x2b: {  	[sflag:s10] =	ssyncadd.s32 @!p1 $0xFFFFFF78;
	s10 =	rddreg [dreg:$0xd]  }
0x2c: {  	[hbm:s10], [sflag:s5] =	dma.local @!p0 [spmem:s24], $0x880  }
0x2d: {  	s5 =	simm.s32 @!p0 $0x2  }
0x2e: {  	_ =	swait.ge @!p0 [sflag:s5], $0x880  }
0x2f: {  	s0 =	sadd.s32 $0x1, s0;
	s17 =	rddreg [dreg:$0x7]  }
0x30: {  	p2 =	sne.s32 s0, s17  }
.Ltmp1:
0x31: {  	_ = 	snop;
	(pc) =	sbr.rel @!p2 .LBB2_16-.Ltmp1, $3  }
0x32: {  	_ =	sdelay $0x1  }
0x33: {  	[sflag:s5] =	ssyncset.done @!p0 $0x0  }
0x34: {  	[sflag:s5] =	ssyncadd.s32 @!p0 $0xFFFFF780  }
.LBB2_1:
0x35: {  	s5 =	rddreg [dreg:$0x5]  }
0x36: {  	[tilespmem:s4], [sflag:$0x2] =	stream.linear.gather [hbm4b:s5+s4], $0xC800, $0x38;
	[tilespmem:$0x1FC48] =	vst v63  }
0x37: {  	_ =	swait.ge [sflag:s18], $0xC800  }
0x38: {  	[sflag:s18] =	ssyncset.done $0x0  }
0x39: {  	s5 =	simm.s32 $0x0;
	[sflag:s18] =	ssyncadd.s32 $0xFFFF3800  }
0x3a: {  	s10 =	simm.s32 $0x220;
	[tilespmem:s5+$0x10A70] =	vst v0  }
.LBB2_2:
0x3b: {  	p2 =	sne.s32 s10, $0x10DE0;
	[tilespmem:s5+$0x10A78] =	vst v0  }
0x3c: {  	[tilespmem:s5+$0x10A00] =	vst v0  }
0x3d: {  	[tilespmem:s5+$0x10A10] =	vst v0  }
0x3e: {  	[tilespmem:s5+$0x10A20] =	vst v0  }
.Ltmp2:
0x3f: {  	[tilespmem:s5+$0x10A30] =	vst v0;
	(pc) =	sbr.rel @p2 .LBB2_2-.Ltmp2, $4  }
0x40: {  	[tilespmem:s5+$0x10A40] =	vst v0  }
0x41: {  	[tilespmem:s5+$0x10A50] =	vst v0  }
0x42: {  	[tilespmem:s5+$0x10A60] =	vst v0;
	s5 =	sshra.s32 s10, $0x2  }
0x43: {  	s10 =	sadd.s32 $0x220, s10;
	[tilespmem:s5+$0x10A70] =	vst v0  }
0x44: {  	[tilespmem:s5+$0x10A78] =	vst v0  }
0x45: {  	[tilespmem:s5+$0x10A00] =	vst v0  }
0x46: {  	[tilespmem:s5+$0x10A10] =	vst v0  }
0x47: {  	[tilespmem:s5+$0x10A20] =	vst v0  }
0x48: {  	[tilespmem:s5+$0x10A30] =	vst v0  }
0x49: {  	[tilespmem:s5+$0x10A40] =	vst v0  }
0x4a: {  	[tilespmem:s5+$0x10A50] =	vst v0  }
0x4b: {  	[tilespmem:s5+$0x10A60] =	vst v0;
	s16 =	rddreg [dreg:$0x8]  }
0x4c: {  	[spmem:s16] =	stream.linear.scatter [tilespmem:s19], [sflag:$0x2], $0x4400, $0x38;
	[tilespmem:$0x1FC48] =	vst v63  }
0x4d: {  	_ =	swait.ge [sflag:s18], $0x4400  }
0x4e: {  	[sflag:s18] =	ssyncset.done $0x0  }
0x4f: {  	s17 =	rddreg [dreg:$0x9];
	[sflag:s18] =	ssyncadd.s32 $0xFFFFBC00  }
0x50: {  	[spmem:s17] =	stream.linear.scatter [tilespmem:s19], [sflag:$0x2], $0x4400, $0x38;
	[tilespmem:$0x1FC48] =	vst v63  }
0x51: {  	_ =	swait.ge [sflag:s18], $0x4400  }
0x52: {  	[sflag:s18] =	ssyncset.done $0x0  }
0x53: {  	s5 =	simm.s32 @!p1 $0x10A00;
	[sflag:s18] =	ssyncadd.s32 $0xFFFFBC00  }
0x54: {  	[spmem:s9] =	stream.linear.scatter @!p1 [tilespmem:s5], [sflag:$0x2], $0x880, $0x38;
	[tilespmem:$0x1FC48] =	vst v63  }
0x55: {  	s5 =	simm.s32 @!p1 $0x2  }
0x56: {  	_ =	swait.ge @!p1 [sflag:s5], $0x880  }
0x57: {  	s10 =	simm.s32 $0x0;
	[sflag:s5] =	ssyncset.done @!p1 $0x0  }
0x58: {  	v5 =	vmov s10;
	s11 =	rddreg [dreg:$0xa];
	[sflag:s5] =	ssyncadd.s32 @!p1 $0xFFFFF780;
	s5 =	simm.s32 @!p0 $0x10A00  }
0x59: {  	v5 =	vmul.u32 $0x88, v5;
	[spmem:s11] =	stream.linear.scatter @!p0 [tilespmem:s5], [sflag:$0x2], $0x4400, $0x38;
	[tilespmem:$0x1FC48] =	vst v63  }
0x5a: {  	s5 =	simm.s32 @!p0 $0x2  }
0x5b: {  	v5 =	vadd.s32 $0x80, v5;
	_ =	swait.ge @!p0 [sflag:s5], $0x4400  }
0x5c: {  	v5 =	vbroadcast v5, $0x0;
	[sflag:s5] =	ssyncset.done @!p0 $0x0  }
0x5d: {  	[sflag:s5] =	ssyncadd.s32 @!p0 $0xFFFFBC00;
	s5 =	simm.s32 $0x1  }
.LBB2_4:
0x5e: {  	v6 =	vmov s5;
	p2 =	sne.s32 s5, $0x7F;
	s5 =	sadd.s32 $0x1, s5;
	v7 =	vor.u32 v3, v5  }
.Ltmp3:
0x5f: {  	v5 =	vmul.u32 $0x88, v6;
	(pc) =	sbr.rel @p2 .LBB2_4-.Ltmp3, $4  }
0x60: {  	_ = 	snop  }
0x61: {  	v5 =	vadd.s32 $0x80, v5  }
0x62: {  	v5 =	vbroadcast v5, $0x0  }
0x63: {  	[tilespmem:v7+s19+$0x0] =	vst.idx.msk $0xff, v4  }
0x64: {  	v5 =	vor.u32 v3, v5;
	_ =	sdelay $0x2  }
.Ltmp4:
0x65: {  	_ = 	snop;
	(pc) =	sbr.rel .LBB2_6-.Ltmp4, $4  }
0x66: {  	_ = 	snop  }
0x67: {  	[tilespmem:v5+s19+$0x0] =	vst.idx.msk $0xff, v4  }
0x68: {  	[bflag:$0x0] =	sbarrier.arrive $0xFFFF  }
0x69: {  	s5 =	simm.s32 $0x0  }
.LBB2_14:
0x6a: {  	s5 =	sadd.s32 $0x1, s5  }
0x6b: {  	p2 =	sne.s32 s5, $0x9D  }
.Ltmp5:
0x6c: {  	_ = 	snop;
	(pc) =	sbr.rel @!p2 .LBB2_15-.Ltmp5, $1  }
0x6d: {  	_ =	sdelay $0x3  }
.LBB2_6:
0x6e: {  	s10 =	sshll.u32 s5, $0x4  }
0x6f: {  	s10 =	sor.u32 s8, s10  }
0x70: {  	p2 =	sgt.u32 s10, $0x9C3  }
.Ltmp6:
0x71: {  	_ = 	snop;
	(pc) =	sbr.rel @p2 .LBB2_14-.Ltmp6, $1  }
0x72: {  	_ =	sdelay $0x3  }
0x73: {  	s11 =	sshll.u32 s10, $0x4  }
0x74: {  	s10 =	simm.s32 $0x0;
	s12 =	sadd.s32 s6, s11  }
0x75: {  	[tilespmem:s20], [sflag:$0x3] =	stream.linear.gather [hbm4b:s12+s10], $0x80, $0x38;
	[tilespmem:$0x1FC48] =	vst v63  }
0x76: {  	_ =	swait.ge [sflag:s21], $0x80  }
0x77: {  	[sflag:s21] =	ssyncset.done $0x0  }
0x78: {  	s17 =	sadd.s32 s7, s11;
	[sflag:s21] =	ssyncadd.s32 $0xFFFFFF80  }
0x79: {  	[tilespmem:s25], [sflag:$0x3] =	stream.linear.gather [hbm4b:s17+s10], $0x80, $0x38;
	[tilespmem:$0x1FC48] =	vst v63  }
0x7a: {  	_ =	swait.ge [sflag:s21], $0x80  }
0x7b: {  	[sflag:s21] =	ssyncset.done $0x0  }
0x7c: {  	s11 =	sadd.s32 s2, s11;
	[sflag:s21] =	ssyncadd.s32 $0xFFFFFF80  }
0x7d: {  	[tilespmem:s26], [sflag:$0x3] =	stream.linear.gather [hbm4b:s11+s10], $0x80, $0x38;
	[tilespmem:$0x1FC48] =	vst v63  }
0x7e: {  	_ =	swait.ge [sflag:s21], $0x80  }
0x7f: {  	[sflag:s21] =	ssyncset.done $0x0  }
0x80: {  	[sflag:s21] =	ssyncadd.s32 $0xFFFFFF80  }
0x81: {  	[tilespmem:s29], [sflag:$0x1] =	stream.indirect.gather [hbm4b:s1+s28], $0x80, s20, s28, $0xb8;
	[tilespmem:$0x1FC48] =	vst v63  }
0x82: {  	_ =	swait.ge [sflag:s30], $0x4000  }
0x83: {  	[sflag:s30] =	ssyncset.done $0x0  }
0x84: {  	s11 =	simm.s32 $0x0;
	[sflag:s30] =	ssyncadd.s32 $0xFFFFC000  }
.LBB2_8:
0x85: {  	s12 =	sshll.u32 s11, $0x4  }
0x86: {  	v7 =	vld [tilespmem:s12+$0xC980];
	_ =	sdelay $0x2  }
0x87: {  	v8 =	vmov s10;
	v5 =	vor.u32 s12, v1  }
0x88: {  	v10 =	vand.u32 $0x38, v8;
	v9 =	vand.u32 $0x7, v8;
	v6 =	vshll.u32 v5, $0x7  }
0x89: {  	v12 =	vor.u32 $0x40, v10;
	v11 =	vor.u32 v6, v9;
	v7 =	vshll.u32 v7, $0x8  }
0x8a: {  	v13 =	vor.u32 v12, v11;
	v8 =	vor.u32 $0x80, v7  }
0x8b: {  	v14 =	vor.u32 v7, v9;
	v15 =	vor.u32 s10, v8  }
0x8c: {  	v16 =	vor.u32 v10, v14  }
0x8d: {  	v9 =	vor.u32 $0xC0, v7;
	v10 =	vor.u32 v10, v11  }
0x8e: {  	v11 =	vor.u32 s10, v9  }
0x8f: {  	v12 =	vor.u32 v12, v14;
	v13 =	vld.idx.msk [tilespmem:v13+s29+$0x0], $0xffff  }
0x90: {  	v14 =	vld.idx.msk [tilespmem:v15+s4+$0x0], $0xffff  }
0x91: {  	v15 =	vld.idx.msk [tilespmem:v16+s4+$0x0], $0xffff  }
0x92: {  	v16 =	vld.idx.msk [tilespmem:v10+s29+$0x0], $0xffff  }
0x93: {  	v11 =	vld.idx.msk [tilespmem:v11+s4+$0x0], $0xffff  }
0x94: {  	v12 =	vld.idx.msk [tilespmem:v12+s4+$0x0], $0xffff  }
0x95: {  	s14 =	simm.s32 $0x1  }
0x96: {  	v10 =	vimm.f32 $0.0e+00;
	v17 =	vmul.f32 v14, v13;
	v14 =	vmov s14  }
0x97: {  	v15 =	vmul.f32 v15, v16;
	v18 =	vand.u32 $0x38, v14;
	v14 =	vand.u32 $0x7, v14  }
0x98: {  	v21 =	vmul.f32 v11, v13;
	v19 =	vor.u32 v6, v14;
	v20 =	vor.u32 $0x40, v18  }
0x99: {  	v11 =	vor.u32 v18, v19;
	v13 =	vor.u32 v20, v19;
	v19 =	vmul.f32 v12, v16  }
0x9a: {  	v17 =	vadd.f32 v17, v15;
	v12 =	vor.u32 v7, v14;
	v14 =	vor.u32 s14, v8  }
0x9b: {  	s15 =	simm.s32 $0x15200;
	s16 =	simm.s32 $0x2;
	s13 =	simm.s32 $0x15200;
	v16 =	vor.u32 v18, v12;
	v12 =	vor.u32 v20, v12;
	v15 =	vadd.f32 v21, v19  }
.LBB2_9:
0x9c: {  	p2 =	sne.s32 s16, $0x3F  }
0x9d: {  	[tilespmem:s15+$0xFFFFFC00] =	vst v17;
	v17 =	vmul.f32 v17, v17;
	s13 =	sadd.s32 $0x10, s13;
	s17 =	smov.u32 s16;
	s16 =	sadd.s32 $0x1, s16  }
0x9e: {  	v18 =	vor.u32 s14, v9;
	[tilespmem:s15+$0x0] =	vst v15;
	s14 =	smov.u32 s17;
	s15 =	smov.u32 s13  }
0x9f: {  	v15 =	vmul.f32 v15, v15;
	v13 =	vld.idx.msk [tilespmem:v13+s29+$0x0], $0xffff;
	v10 =	vadd.f32 v17, v10  }
0xa0: {  	v14 =	vld.idx.msk [tilespmem:v14+s4+$0x0], $0xffff  }
0xa1: {  	v16 =	vld.idx.msk [tilespmem:v16+s4+$0x0], $0xffff;
	v10 =	vadd.f32 v15, v10  }
0xa2: {  	v15 =	vld.idx.msk [tilespmem:v11+s29+$0x0], $0xffff  }
0xa3: {  	v11 =	vld.idx.msk [tilespmem:v18+s4+$0x0], $0xffff  }
0xa4: {  	v12 =	vld.idx.msk [tilespmem:v12+s4+$0x0], $0xffff;
	_ =	sdelay $0x1  }
0xa5: {  	v17 =	vmul.f32 v14, v13  }
0xa6: {  	v14 =	vmov s14  }
.Ltmp7:
0xa7: {  	v18 =	vand.u32 $0x38, v14;
	v14 =	vand.u32 $0x7, v14;
	v16 =	vmul.f32 v16, v15;
	(pc) =	sbr.rel @p2 .LBB2_9-.Ltmp7, $4  }
0xa8: {  	v19 =	vor.u32 v6, v14;
	v20 =	vor.u32 $0x40, v18;
	v21 =	vmul.f32 v11, v13  }
0xa9: {  	v11 =	vor.u32 v18, v19;
	v13 =	vor.u32 v20, v19;
	v15 =	vmul.f32 v12, v15  }
0xaa: {  	v12 =	vor.u32 v7, v14;
	v14 =	vor.u32 s14, v8;
	v17 =	vadd.f32 v17, v16  }
0xab: {  	v16 =	vor.u32 v18, v12;
	v12 =	vor.u32 v20, v12;
	v15 =	vadd.f32 v21, v15  }
0xac: {  	_ =	sdelay $0x1  }
0xad: {  	[tilespmem:s15+$0xFFFFFC00] =	vst v17  }
0xae: {  	[tilespmem:s15+$0x0] =	vst v15  }
0xaf: {  	v6 =	vor.u32 s14, v9;
	v7 =	vld.idx.msk [tilespmem:v13+s29+$0x0], $0xffff  }
0xb0: {  	v8 =	vld.idx.msk [tilespmem:v14+s4+$0x0], $0xffff  }
0xb1: {  	v9 =	vld.idx.msk [tilespmem:v16+s4+$0x0], $0xffff  }
0xb2: {  	v11 =	vld.idx.msk [tilespmem:v11+s29+$0x0], $0xffff  }
0xb3: {  	v12 =	vld.idx.msk [tilespmem:v12+s4+$0x0], $0xffff  }
0xb4: {  	v6 =	vld.idx.msk [tilespmem:v6+s4+$0x0], $0xffff;
	_ =	sdelay $0x1  }
0xb5: {  	v57 =	vmul.f32 v17, v17  }
0xb6: {  	v8 =	vmul.f32 v8, v7;
	v9 =	vmul.f32 v9, v11  }
0xb7: {  	v58 =	vmul.f32 v15, v15;
	v10 =	vadd.f32 v57, v10  }
0xb8: {  	v8 =	vadd.f32 v8, v9;
	v6 =	vmul.f32 v6, v7;
	v7 =	vmul.f32 v12, v11;
	_ =	sdelay $0x1  }
0xb9: {  	v9 =	vadd.f32 v58, v10;
	v10 =	vadd.f32 v6, v7;
	v6 =	vmul.f32 v8, v8;
	_ =	sdelay $0x1  }
0xba: {  	v6 =	vadd.f32 v6, v9;
	v7 =	vmul.f32 v10, v10;
	_ =	sdelay $0x1  }
0xbb: {  	v6 =	vadd.f32 v7, v6;
	_ =	sdelay $0x1  }
0xbc: {  	v7 =	vadd.f32 $1.000000000e-15, v6;
	_ =	sdelay $0x1  }
0xbd: {  	v9 =	vshra.s32 v7, $0x1;
	v11 =	vmul.f32 $5.000000000e-01, v7  }
0xbe: {  	v9 =	vsub.s32 $0x5F3759DF, v9  }
0xbf: {  	v59 =	vmul.f32 v9, v11;
	_ =	sdelay $0x1  }
0xc0: {  	v12 =	vmul.f32 v9, v59;
	_ =	sdelay $0x1  }
0xc1: {  	v12 =	vsub.f32 $1.500000000e+00, v12;
	_ =	sdelay $0x1  }
0xc2: {  	v9 =	vmul.f32 v9, v12;
	_ =	sdelay $0x1  }
0xc3: {  	v12 =	vmul.f32 v9, v11;
	_ =	sdelay $0x1  }
0xc4: {  	v12 =	vmul.f32 v12, v9;
	_ =	sdelay $0x1  }
0xc5: {  	v12 =	vsub.f32 $1.500000000e+00, v12;
	_ =	sdelay $0x1  }
0xc6: {  	v9 =	vmul.f32 v12, v9;
	_ =	sdelay $0x1  }
0xc7: {  	v11 =	vmul.f32 v9, v11;
	_ =	sdelay $0x1  }
0xc8: {  	v11 =	vmul.f32 v11, v9;
	_ =	sdelay $0x1  }
0xc9: {  	v11 =	vsub.f32 $1.500000000e+00, v11;
	_ =	sdelay $0x1  }
0xca: {  	v9 =	vmul.f32 v11, v9;
	_ =	sdelay $0x1  }
0xcb: {  	v7 =	vmul.f32 v9, v7;
	_ =	sdelay $0x1  }
0xcc: {  	v7 =	vmul.f32 $2.000000030e-01, v7;
	_ =	sdelay $0x1  }
0xcd: {  	v7 =	vmul.f32 $1.442695020e+00, v7;
	_ =	sdelay $0x1  }
0xce: {  	(erf) = vpow2.f32 v7;
	_ =	sdelay $0x8  }
0xcf: {  	v7 =	vpop (erf)  }
0xd0: {  	v11 =	vadd.f32 $1.000000000e+00, v7;
	_ =	sdelay $0x1  }
0xd1: {  	(erf) = vrcp.f32 v11;
	_ =	sdelay $0x7  }
0xd2: {  	v7 =	vadd.f32 $-1.000000000e+00, v7  }
0xd3: {  	v11 =	vpop (erf)  }
0xd4: {  	v7 =	vmul.f32 v11, v7;
	_ =	sdelay $0x1  }
0xd5: {  	v7 =	vmul.f32 $1.000000000e+01, v7;
	_ =	sdelay $0x1  }
0xd6: {  	v9 =	vmul.f32 v7, v9;
	_ =	sdelay $0x1  }
0xd7: {  	v6 =	vmul.f32 v9, v6;
	_ =	sdelay $0x1  }
0xd8: {  	v6 =	vmul.f32 v6, v9;
	_ =	sdelay $0x1  }
0xd9: {  	v6 =	vmul.f32 $9.999999770e-03, v6;
	_ =	sdelay $0x1  }
0xda: {  	v7 =	vsub.f32 $1.000000000e+00, v6;
	_ =	sdelay $0x1  }
0xdb: {  	v7 =	vmax.f32 v7, $9.999999970e-07  }
0xdc: {  	(erf) = vrcp.f32 v7;
	_ =	sdelay $0x3  }
0xdd: {  	s13 =	sadd.s32 $0x10, s13  }
0xde: {  	s17 =	simm.s32 $0x0;
	[tilespmem:s13+$0xFFFFFC00] =	vst v8  }
0xdf: {  	v5 =	vmul.u32 $0x88, v5;
	v8 =	vmov s17;
	[tilespmem:s13+$0x0] =	vst v10;
	s13 =	simm.s32 $0x15200  }
0xe0: {  	v10 =	vld [tilespmem:s13+$0xFFFFFC00];
	v11 =	vand.u32 $0x38, v8  }
0xe1: {  	v60 =	vand.u32 $0x7, v8;
	v8 =	vadd.s32 v5, v11;
	v9 =	vadd.f32 v9, v9  }
0xe2: {  	v62 =	vor.u32 v60, v8;
	v61 =	vpop (erf)  }
0xe3: {  	v8 =	vmul.f32 v61, v9;
	_ =	sdelay $0x1  }
0xe4: {  	v9 =	vmul.f32 v10, v8;
	_ =	sdelay $0x1  }
0xe5: {  	[tilespmem:v62+s19+$0x0] =	vst.idx.msk $0xffff, v9  }
0xe6: {  	v9 =	vadd.s32 $0x40, v5;
	v63 =	vld [tilespmem:s13+$0x0]  }
0xe7: {  	v10 =	vadd.s32 v11, v9  }
0xe8: {  	v10 =	vor.u32 v60, v10;
	_ =	sdelay $0x2  }
0xe9: {  	s14 =	simm.s32 $0x2;
	s15 =	simm.s32 $0x1;
	v11 =	vmul.f32 v63, v8  }
.LBB2_11:
0xea: {  	p2 =	sne.s32 s14, $0x3F  }
0xeb: {  	v12 =	vmov s15;
	s13 =	sadd.s32 $0x10, s13;
	s15 =	smov.u32 s14;
	s14 =	sadd.s32 $0x1, s14;
	[tilespmem:v10+s19+$0x0] =	vst.idx.msk $0xffff, v11  }
0xec: {  	v10 =	vand.u32 $0x38, v12;
	v11 =	vld [tilespmem:s13+$0xFFFFFC00]  }
0xed: {  	v12 =	vand.u32 $0x7, v12;
	v13 =	vadd.s32 v5, v10;
	v10 =	vadd.s32 v10, v9  }
0xee: {  	v13 =	vor.u32 v12, v13;
	v10 =	vor.u32 v12, v10;
	_ =	sdelay $0x2  }
0xef: {  	v11 =	vmul.f32 v11, v8;
	_ =	sdelay $0x1  }
0xf0: {  	[tilespmem:v13+s19+$0x0] =	vst.idx.msk $0xffff, v11  }
0xf1: {  	v11 =	vld [tilespmem:s13+$0x0]  }
.Ltmp8:
0xf2: {  	(pc) =	sbr.rel @p2 .LBB2_11-.Ltmp8, $2  }
0xf3: {  	_ =	sdelay $0x2  }
0xf4: {  	v11 =	vmul.f32 v11, v8  }
0xf5: {  	_ =	sdelay $0x3  }
0xf6: {  	v12 =	vmov s15;
	s13 =	sadd.s32 $0x10, s13;
	[tilespmem:v10+s19+$0x0] =	vst.idx.msk $0xffff, v11  }
0xf7: {  	v62 =	vand.u32 $0x38, v12;
	v10 =	vld [tilespmem:s13+$0xFFFFFC00]  }
0xf8: {  	v12 =	vand.u32 $0x7, v12;
	v13 =	vadd.s32 v5, v62  }
0xf9: {  	v7 =	vmul.f32 $1.000000010e-01, v7;
	v13 =	vor.u32 v12, v13;
	_ =	sdelay $0x1  }
0xfa: {  	(erf) = vrcp.f32 v7  }
0xfb: {  	v7 =	vmul.f32 v10, v8;
	_ =	sdelay $0x1  }
0xfc: {  	[tilespmem:v13+s19+$0x0] =	vst.idx.msk $0xffff, v7  }
0xfd: {  	v7 =	vld [tilespmem:s13+$0x0]  }
0xfe: {  	v9 =	vadd.s32 v62, v9  }
0xff: {  	v9 =	vor.u32 v12, v9  }
0x100: {  	v5 =	vadd.s32 $0x80, v5  }
0x101: {  	v6 =	vadd.f32 $1.000000000e+00, v6  }
0x102: {  	v63 =	vpop (erf);
	v7 =	vmul.f32 v7, v8  }
0x103: {  	v6 =	vmul.f32 v63, v6  }
0x104: {  	[tilespmem:v9+s19+$0x0] =	vst.idx.msk $0xffff, v7  }
0x105: {  	[tilespmem:v5+s19+$0x0] =	vst.idx.msk $0xffff, v6  }
0x106: {  	v5 =	vld [tilespmem:s12+$0xC880]  }
0x107: {  	s11 =	sadd.s32 $0x1, s11  }
0x108: {  	p2 =	sne.s32 s11, $0x8  }
.Ltmp9:
0x109: {  	_ = 	snop;
	(pc) =	sbr.rel @p2 .LBB2_8-.Ltmp9, $4  }
0x10a: {  	_ = 	snop  }
0x10b: {  	v5 =	vadd.s32 v2, v5  }
0x10c: {  	v5 =	vmin.u32 v5, $0x1388  }
0x10d: {  	[tilespmem:s12+$0xC900] =	vst v5  }
.Ltmp10:
0x10e: {  	(pc) =	sbr.rel .LBB2_14-.Ltmp10, $4  }
0x10f: {  	[spmem:s3] =	stream.indirect.scatter.add.f32 [tilespmem:s19], [sflag:$0x2], $0x88, s31, s28, $0xb8;
	[tilespmem:$0x1FC48] =	vst v63  }
0x110: {  	_ =	swait.ge [sflag:s18], $0x4400  }
0x111: {  	[sflag:s18] =	ssyncset.done $0x0  }
0x112: {  	[sflag:s18] =	ssyncadd.s32 $0xFFFFBC00  }
.LBB2_16:
0x113: {  	_ =	sfence.sel $0x180000  }
0x114: {  	[bflag:$0x0] =	sbarrier.arrive $0xFFFF  }
0x115: {  	_ =	strace $0x90000047  }
0x116: {  	[bflag:$0x2] =	sbarrier.arrive $0xFFFF  }
0x117: {  	p0 =	sne.s32 s8, $0x0;
	s0 =	rddreg [dreg:$0x4]  }
0x118: {  	s0 =	sadd.s32 @!p0 $0x100000, s0  }
0x119: {  	[sflag:s0] =	ssyncadd.tile.s32 @!p0 $0x1;
	_ =	shalt  }
.Lfunc_end2:
_tile_overlayer_lowered:
.L_overlay_start_2:
0x11a: {  	(tag) =	ssettag $0x2  }
0x11b: {  	s0 =	rddreg [dreg:$0x0];
	s2 =	stileid.u32  }
0x11c: {  	s1 =	rddreg [dreg:$0x1];
	p0 =	sne.s32 s2, $0x0  }
0x11d: {  	s3 =	rddreg [dreg:$0x2];
	[bflag:$0x3] =	sbarrier.arrive $0xFFFF;
	s2 =	simm.s32 @!p0 $0x1C02  }
0x11e: {  	[timem:s3], [sflag:s2] =	dma.local @!p0 [hbm:s0], s1  }
0x11f: {  	s0 =	simm.s32 @!p0 $0x2  }
0x120: {  	_ =	swait.ge @!p0 [sflag:s0], s1  }
0x121: {  	s1 =	ssub.s32 @!p0 $0x0, s1;
	[sflag:s0] =	ssyncset.done @!p0 $0x0  }
0x122: {  	[sflag:s0] =	ssyncadd.s32 @!p0 s1  }
0x123: {  	[bflag:$0x3] =	sbarrier.arrive $0xFFFF  }
0x124: {  	_ =	shalt  }

</sc_bundles>
